<compile_context>
chip_gen: v7x
topology: tpu7x:2x2x1
jax: 0.10.2.dev20260603
libtpu: 0.0.44.dev20260713+nightly
codegen_flags: <defaults>
</compile_context>

<pallas_src>
import functools

import jax
import jax.numpy as jnp
from jax import lax
from jax.experimental import pallas as pl
from jax.experimental.pallas import tpu as pltpu
from jax.experimental.pallas import tpu_sc as plsc

_N = 10000
_D = 128
_HD = _D // 2
_E = 320000
_NC = 2
_NS = 16
_B = 128
_NBH = 160
_EPAD = _NS * _NBH * _B
_NB1 = _NBH // 2
_CH = 632
_ACCR = _NS * _CH
_LAST = _N - (_NS - 1) * _CH
_SLAB = 2
_NI0 = _NBH // _SLAB
_NI1 = _NB1 // _SLAB

_mesh = plsc.VectorSubcoreMesh(core_axis_name="c", subcore_axis_name="s")


@functools.partial(
    pl.kernel,
    out_type=(
        jax.ShapeDtypeStruct((_NC, _N, _HD), jnp.float32),
        jax.ShapeDtypeStruct((_NC, _N, 8), jnp.float32),
    ),
    mesh=_mesh,
    scratch_types=[
        pltpu.VMEM((_NBH, _B), jnp.int32),
        pltpu.VMEM((_NBH, _B), jnp.int32),
        pltpu.VMEM((2, _B, _HD // 2), jnp.int32),
        pltpu.VMEM((2, _B, _HD), jnp.float32),
        pltpu.VMEM((_B, 8), jnp.float32),
        pltpu.VMEM_SHARED((_ACCR, _HD), jnp.float32),
        pltpu.VMEM_SHARED((_ACCR, 8), jnp.float32),
        pltpu.SemaphoreType.DMA,
        pltpu.SemaphoreType.DMA,
        pltpu.SemaphoreType.DMA,
    ],
    compiler_params=pltpu.CompilerParams(use_tc_tiling_on_sc=False,
                                         needs_layout_passes=False),
)
def _sc_agg0(xcat_hbm, srcp2_hbm, dstp_hbm, z64_hbm, z8_hbm, ones8_hbm,
             out_hbm, cnt_hbm,
             src_v, dst_v, rows_i, rows_f, ones_v, acc_sh, cntacc_sh,
             gsem, ssem, osem):
    c = lax.axis_index("c")
    s = lax.axis_index("s")
    base = s * _CH
    pltpu.sync_copy(z64_hbm, acc_sh.at[pl.ds(base, _CH), :])
    pltpu.sync_copy(z8_hbm, cntacc_sh.at[pl.ds(base, _CH), :])
    pltpu.sync_copy(ones8_hbm, ones_v)
    pltpu.sync_copy(srcp2_hbm.at[c, s], src_v)
    pltpu.sync_copy(dstp_hbm.at[s], dst_v)
    pltpu.async_copy(xcat_hbm.at[src_v.at[0]], rows_i.at[0], gsem)
    plsc.subcore_barrier()
    cnt_lo = c * _NB1
    hi_mask = jnp.full((16,), -65536, jnp.int32)

    def _gwait(p):
        pltpu.make_async_copy(xcat_hbm.at[src_v.at[0]], rows_i.at[p],
                              gsem).wait()

    def _swait(p):
        pltpu.make_async_copy(rows_f.at[p], acc_sh.at[dst_v.at[0]],
                              ssem).wait()

    def _owait():
        pltpu.make_async_copy(ones_v, cntacc_sh.at[dst_v.at[0]], osem).wait()

    def _step(j, carry):
        p = lax.rem(j, 2)
        o = 1 - p
        _gwait(p)

        @pl.when(j + 1 < _NBH)
        def _():
            pltpu.async_copy(xcat_hbm.at[src_v.at[j + 1]], rows_i.at[o], gsem)

        @pl.when(j >= 2)
        def _():
            _swait(p)

        def _conv(r, carry2):
            for cblk in range(2):
                w = rows_i[p, r, pl.ds(cblk * 16, 16)]
                va = plsc.bitcast(w << 16, jnp.float32)
                vb = plsc.bitcast(w & hi_mask, jnp.float32)
                rows_f[p, r, pl.ds(cblk * 32, 16)] = va
                rows_f[p, r, pl.ds(cblk * 32 + 16, 16)] = vb
            return carry2

        lax.fori_loop(0, _B, _conv, 0)
        pltpu.async_copy(rows_f.at[p], acc_sh.at[dst_v.at[j]], ssem, add=True)

        @pl.when(jnp.logical_and(j >= cnt_lo, j < cnt_lo + _NB1))
        def _():
            @pl.when(j > cnt_lo)
            def _():
                _owait()

            pltpu.async_copy(ones_v, cntacc_sh.at[dst_v.at[j]], osem, add=True)

        return carry

    lax.fori_loop(0, _NBH, _step, 0)
    _swait(0)
    _swait(1)
    _owait()
    plsc.subcore_barrier()

    @pl.when(s != _NS - 1)
    def _():
        pltpu.sync_copy(acc_sh.at[pl.ds(base, _CH), :],
                        out_hbm.at[c, pl.ds(base, _CH), :])
        pltpu.sync_copy(cntacc_sh.at[pl.ds(base, _CH), :],
                        cnt_hbm.at[c, pl.ds(base, _CH), :])

    @pl.when(s == _NS - 1)
    def _():
        pltpu.sync_copy(acc_sh.at[pl.ds(base, _LAST), :],
                        out_hbm.at[c, pl.ds(base, _LAST), :])
        pltpu.sync_copy(cntacc_sh.at[pl.ds(base, _LAST), :],
                        cnt_hbm.at[c, pl.ds(base, _LAST), :])


@functools.partial(
    pl.kernel,
    out_type=jax.ShapeDtypeStruct((_NC, _N, 16), jnp.float32),
    mesh=_mesh,
    scratch_types=[
        pltpu.VMEM((_NB1, _B), jnp.int32),
        pltpu.VMEM((_NB1, _B), jnp.int32),
        pltpu.VMEM((2, _SLAB * _B, 16), jnp.float32),
        pltpu.VMEM_SHARED((_ACCR, 16), jnp.float32),
        pltpu.SemaphoreType.DMA,
        pltpu.SemaphoreType.DMA,
    ],
    compiler_params=pltpu.CompilerParams(use_tc_tiling_on_sc=False),
)
def _sc_agg1(q_hbm, srcp2_hbm, dstp_hbm, z16_hbm, out_hbm,
             src_v, dst_v, rows_v, acc_sh, gsem, ssem):
    c = lax.axis_index("c")
    s = lax.axis_index("s")
    base = s * _CH
    pltpu.sync_copy(z16_hbm, acc_sh.at[pl.ds(base, _CH), :])
    pltpu.sync_copy(srcp2_hbm.at[0, s, pl.ds(c * _NB1, _NB1), :], src_v)
    pltpu.sync_copy(dstp_hbm.at[s, pl.ds(c * _NB1, _NB1), :], dst_v)
    for _j in range(_SLAB):
        pltpu.async_copy(q_hbm.at[src_v.at[_j]],
                         rows_v.at[0, pl.ds(_j * _B, _B), :], gsem)
    plsc.subcore_barrier()
    slab_rows = _SLAB * _B

    def _gwait(sem, slab):
        for j in range(_SLAB):
            pltpu.make_async_copy(q_hbm.at[src_v.at[0]],
                                  rows_v.at[slab, pl.ds(j * _B, _B), :],
                                  sem).wait()

    def _step(i, carry):
        p = lax.rem(i, 2)
        o = 1 - p

        @pl.when(i + 1 < _NI1)
        def _():
            @pl.when(i >= 1)
            def _():
                _gwait(ssem, o)

            for j in range(_SLAB):
                pltpu.async_copy(q_hbm.at[src_v.at[(i + 1) * _SLAB + j]],
                                 rows_v.at[o, pl.ds(j * _B, _B), :], gsem)

        _gwait(gsem, p)
        for j in range(_SLAB):
            pltpu.async_copy(rows_v.at[p, pl.ds(j * _B, _B), :],
                             acc_sh.at[dst_v.at[i * _SLAB + j]], ssem, add=True)

        return carry

    lax.fori_loop(0, _NI1, _step, 0)
    _gwait(ssem, 0)
    _gwait(ssem, 1)
    plsc.subcore_barrier()

    @pl.when(s != _NS - 1)
    def _():
        pltpu.sync_copy(acc_sh.at[pl.ds(base, _CH), :],
                        out_hbm.at[c, pl.ds(base, _CH), :])

    @pl.when(s == _NS - 1)
    def _():
        pltpu.sync_copy(acc_sh.at[pl.ds(base, _LAST), :],
                        out_hbm.at[c, pl.ds(base, _LAST), :])


def _tc_mid_body(x_ref, s0_ref, cnt_ref, w0n_ref, w0s_ref, b0_ref,
                 w1n_ref, w1s_ref, b1_ref, q_ref):
    cnt = cnt_ref[0, :, 0] + cnt_ref[1, :, 0]
    inv = 1.0 / jnp.maximum(cnt, 1.0)
    m0l = s0_ref[0] * inv[:, None]
    m0r = s0_ref[1] * inv[:, None]
    h = jnp.dot(m0l, w0n_ref[:_HD, :], preferred_element_type=jnp.float32)
    h += jnp.dot(m0r, w0n_ref[_HD:, :], preferred_element_type=jnp.float32)
    h += jnp.dot(x_ref[...], w0s_ref[...], preferred_element_type=jnp.float32)
    h = jnp.maximum(h + b0_ref[...], 0.0)
    p = jnp.dot(h, w1n_ref[...], preferred_element_type=jnp.float32)
    sv = jnp.dot(h, w1s_ref[...], preferred_element_type=jnp.float32) + b1_ref[0, 0]
    col = lax.broadcasted_iota(jnp.int32, (p.shape[0], 16), 1)
    q_ref[...] = jnp.where(col == 0, p, 0.0) + jnp.where(col == 1, sv, 0.0)


def _tc_mid(x, s0p, cnt, w0n, w0s, b0, w1n, w1s, b1):
    blk = 2000
    return pl.pallas_call(
        _tc_mid_body,
        grid=(_N // blk,),
        in_specs=[
            pl.BlockSpec((blk, _D), lambda i: (i, 0)),
            pl.BlockSpec((_NC, blk, _HD), lambda i: (0, i, 0)),
            pl.BlockSpec((_NC, blk, 8), lambda i: (0, i, 0)),
            pl.BlockSpec((_D, _D), lambda i: (0, 0)),
            pl.BlockSpec((_D, _D), lambda i: (0, 0)),
            pl.BlockSpec((1, _D), lambda i: (0, 0)),
            pl.BlockSpec((_D, 1), lambda i: (0, 0)),
            pl.BlockSpec((_D, 1), lambda i: (0, 0)),
            pl.BlockSpec((1, 1), lambda i: (0, 0)),
        ],
        out_specs=pl.BlockSpec((blk, 16), lambda i: (i, 0)),
        out_shape=jax.ShapeDtypeStruct((_N, 16), jnp.float32),
    )(x, s0p, cnt, w0n, w0s, b0, w1n, w1s, b1)


def _tc_fin_body(s1_ref, cnt_ref, q_ref, out_ref):
    sum1 = s1_ref[0, :, 0] + s1_ref[1, :, 0]
    cnt = cnt_ref[0, :, 0] + cnt_ref[1, :, 0]
    mean1 = sum1 / jnp.maximum(cnt, 1.0)
    out_ref[...] = jnp.maximum(mean1 + q_ref[:, 1], 0.0)[:, None]


def _tc_fin(s1p, cnt, q):
    blk = 2000
    return pl.pallas_call(
        _tc_fin_body,
        grid=(_N // blk,),
        in_specs=[
            pl.BlockSpec((_NC, blk, 16), lambda i: (0, i, 0)),
            pl.BlockSpec((_NC, blk, 8), lambda i: (0, i, 0)),
            pl.BlockSpec((blk, 16), lambda i: (i, 0)),
        ],
        out_specs=pl.BlockSpec((blk, 1), lambda i: (i, 0)),
        out_shape=jax.ShapeDtypeStruct((_N, 1), jnp.float32),
    )(s1p, cnt, q)


def kernel(x, edge_index, class_edge_index, W0n, b0n, W0c, b0c, W0s, b0s,
           W1n, b1n, W1c, b1c, W1s, b1s):
    del class_edge_index, W0c, b0c, W1c, b1c
    pad = _EPAD - _E
    src = jnp.concatenate([edge_index[0], jnp.zeros((pad,), jnp.int32)])
    srcp = src.reshape(_NS, _NBH, _B)
    srcp2 = jnp.stack([srcp, srcp + _N])
    dstp = jnp.concatenate(
        [edge_index[1], jnp.full((pad,), _N, jnp.int32)]).reshape(_NS, _NBH, _B)
    xb = jnp.concatenate([x[:, :_HD], x[:, _HD:]], axis=0).astype(jnp.bfloat16)
    xbp = xb.reshape(2 * _N, 2, 2, 16).transpose(0, 1, 3, 2)
    xcat = lax.bitcast_convert_type(xbp.reshape(2 * _N, _HD // 2, 2),
                                    jnp.int32)
    z64 = jnp.zeros((_CH, _HD), jnp.float32)
    z16 = jnp.zeros((_CH, 16), jnp.float32)
    z8 = jnp.zeros((_CH, 8), jnp.float32)
    ones8 = jnp.ones((_B, 8), jnp.float32)

    s0p, cnt = _sc_agg0(xcat, srcp2, dstp, z64, z8, ones8)
    b0 = (b0n + b0s).reshape(1, _D)
    b1 = (b1n + b1s).reshape(1, 1)
    q = _tc_mid(x, s0p, cnt, W0n, W0s, b0, W1n, W1s, b1)
    s1p = _sc_agg1(q, srcp2, dstp, z16)
    return _tc_fin(s1p, cnt, q)

# --- scband reference (transcript-rebuilt; emitter-appended) ---
"""Pipeline reference for scband-mchcgraph-sage-56410100465947 (READ-ONLY COPY).

The authoritative reference and input builder live on the scoring server;
editing this copy changes nothing except your own understanding.
"""

import jax, jax.numpy as jnp
import numpy as np

N = 10000
E = 320000
EC = 10000
D = 128
H = 128


def _sage_mean(x, ei, W, b):
    # PyG SAGEConv with root_weight=False, project=False, normalize=False, aggr='mean':
    # out = lin_l(mean_{j in N(i)} x_j)
    src = ei[0]
    dst = ei[1]
    msg = jnp.take(x, src, axis=0)
    agg = jax.ops.segment_sum(msg, dst, num_segments=x.shape[0])
    cnt = jax.ops.segment_sum(jnp.ones((ei.shape[1],), dtype=x.dtype), dst, num_segments=x.shape[0])
    agg = agg / jnp.maximum(cnt, 1.0)[:, None]
    return agg @ W + b


def setup_inputs(seed: int = 0) -> dict:
    key = jax.random.key(seed)
    ks = jax.random.split(key, 16)
    inp = {}
    inp["x"] = jax.random.normal(ks[0], (N, D), dtype=jnp.float32)
    inp["edge_index"] = jax.random.randint(ks[1], (2, E), 0, N, dtype=jnp.int32)
    inp["class_edge_index"] = jax.random.randint(ks[2], (2, EC), 0, N, dtype=jnp.int32)
    s0 = 1.0 / np.sqrt(D)
    s1 = 1.0 / np.sqrt(H)
    # layer 0: in=128 -> out=hidden=128
    inp["W0n"] = jax.random.normal(ks[3], (D, H), dtype=jnp.float32) * s0
    inp["b0n"] = jnp.zeros((H,), dtype=jnp.float32)
    inp["W0c"] = jax.random.normal(ks[4], (D, H), dtype=jnp.float32) * s0
    inp["b0c"] = jnp.zeros((H,), dtype=jnp.float32)
    inp["W0s"] = jax.random.normal(ks[5], (D, H), dtype=jnp.float32) * s0
    inp["b0s"] = jnp.zeros((H,), dtype=jnp.float32)
    # layer 1 (last): in=hidden=128 -> out=1
    inp["W1n"] = jax.random.normal(ks[6], (H, 1), dtype=jnp.float32) * s1
    inp["b1n"] = jnp.zeros((1,), dtype=jnp.float32)
    inp["W1c"] = jax.random.normal(ks[7], (H, 1), dtype=jnp.float32) * s1
    inp["b1c"] = jnp.zeros((1,), dtype=jnp.float32)
    inp["W1s"] = jax.random.normal(ks[8], (H, 1), dtype=jnp.float32) * s1
    inp["b1s"] = jnp.zeros((1,), dtype=jnp.float32)
    return inp


def reference(x, edge_index, class_edge_index, W0n, b0n, W0c, b0c, W0s, b0s, W1n, b1n, W1c, b1c, W1s, b1s):
    # layer 0: MCHCLinkSageConv, activation=relu
    nm0 = _sage_mean(x, edge_index, W0n, b0n)
    cm0 = _sage_mean(x, class_edge_index, W0c, b0c)  # computed but unused (faithful to original forward)
    sm0 = x @ W0s + b0s
    h = jax.nn.relu(nm0 + sm0)
    # layer 1 (last): out_channels=1, activate_last_layer=True -> relu
    nm1 = _sage_mean(h, edge_index, W1n, b1n)
    cm1 = _sage_mean(h, class_edge_index, W1c, b1c)  # computed but unused
    sm1 = h @ W1s + b1s
    out = jax.nn.relu(nm1 + sm1)
    return out

if __name__ == "__main__":
    import jax
    _d = setup_inputs()
    print(jax.jit(kernel)(*tuple(_d.values())))

</pallas_src>

<mosaic_0001>
#map = affine_map<(d0, d1) -> (0, 0)>
#map1 = affine_map<(d0, d1) -> (0, 0, 0, 0)>
#map2 = affine_map<(d0, d1) -> (0, 0, 0)>
module attributes {stable_mosaic.version = 14 : i64} {
  func.func @_sc_agg1(%arg0: i32, %arg1: i32, %arg2: memref<10000x16xf32, #tpu.memory_space<hbm>>, %arg3: memref<2x16x160x128xi32, #tpu.memory_space<hbm>>, %arg4: memref<16x160x128xi32, #tpu.memory_space<hbm>>, %arg5: memref<632x16xf32, #tpu.memory_space<hbm>>, %arg6: memref<2x10000x16xf32, #tpu.memory_space<hbm>>, %arg7: memref<80x128xi32, #tpu.memory_space<vmem>>, %arg8: memref<80x128xi32, #tpu.memory_space<vmem>>, %arg9: memref<2x256x16xf32, #tpu.memory_space<vmem>>, %arg10: memref<10112x16xf32, #tpu.memory_space<vmem_shared>>, %arg11: memref<!tpu.dma_semaphore, #tpu.memory_space<semaphore_mem>>, %arg12: memref<!tpu.dma_semaphore, #tpu.memory_space<semaphore_mem>>) attributes {dimension_semantics = [#tpu.dimension_semantics<core_parallel>, #tpu.dimension_semantics<subcore_parallel>], iteration_bounds = array<i64: 2, 16>, scalar_prefetch = 0 : i64, scratch_operands = 6 : i64, tpu.core_type = #tpu.core_type<sc_vector_subcore>, window_params = [{transform_indices = #map}, {transform_indices = #map1}, {transform_indices = #map2}, {transform_indices = #map}, {transform_indices = #map2}]} {
    %mul3A = arith.constant 632 : i32
    %mul3A_0 = arith.muli %arg1, %mul3A : i32
    "tpu.region"() ({
      %run_scoped3A_87 = tpu.sem_alloc : memref<!tpu.dma_semaphore, #tpu.memory_space<semaphore_mem>>
      %dma_start3A_88 = arith.constant 0 : i32
      %dma_start3A_89 = tpu.memref_slice %arg10[%mul3A_0, %dma_start3A_88] : memref<10112x16xf32, #tpu.memory_space<vmem_shared>> -> memref<632x16xf32, #tpu.memory_space<vmem_shared>>
      tpu.enqueue_dma source(%arg5 : memref<632x16xf32, #tpu.memory_space<hbm>>) target(%dma_start3A_89 : memref<632x16xf32, #tpu.memory_space<vmem_shared>>) target_semaphore(%run_scoped3A_87 : memref<!tpu.dma_semaphore, #tpu.memory_space<semaphore_mem>>)
      %dma_wait3A_90 = arith.constant 0 : i32
      %dma_wait3A_91 = tpu.memref_slice %arg10[%mul3A_0, %dma_wait3A_90] : memref<10112x16xf32, #tpu.memory_space<vmem_shared>> -> memref<632x16xf32, #tpu.memory_space<vmem_shared>>
      tpu.wait_dma2 semaphore(%run_scoped3A_87 : memref<!tpu.dma_semaphore, #tpu.memory_space<semaphore_mem>>) src(%arg5 : memref<632x16xf32, #tpu.memory_space<hbm>>) dst(%dma_wait3A_91 : memref<632x16xf32, #tpu.memory_space<vmem_shared>>)
      tpu.yield
    }) : () -> ()
    %mul3A_1 = arith.constant 80 : i32
    %mul3A_2 = arith.muli %arg0, %mul3A_1 : i32
    %run_scoped3A = arith.constant 0 : i32
    "tpu.region"() ({
      %run_scoped3A_87 = tpu.sem_alloc : memref<!tpu.dma_semaphore, #tpu.memory_space<semaphore_mem>>
      %dma_start3A_88 = arith.constant 0 : i32
      %dma_start3A_89 = tpu.memref_slice %arg3[%run_scoped3A, %arg1, %mul3A_2, %dma_start3A_88] : memref<2x16x160x128xi32, #tpu.memory_space<hbm>> -> memref<1x1x80x128xi32, #tpu.memory_space<hbm>>
      %dma_start3A_90 = tpu.memref_squeeze %dma_start3A_89 : memref<1x1x80x128xi32, #tpu.memory_space<hbm>> -> memref<80x128xi32, #tpu.memory_space<hbm>>
      %dma_start3A_91 = arith.constant 0 : i32
      %dma_start3A_92 = tpu.memref_slice %arg3[%run_scoped3A, %arg1, %mul3A_2, %dma_start3A_91] : memref<2x16x160x128xi32, #tpu.memory_space<hbm>> -> memref<1x1x80x128xi32, #tpu.memory_space<hbm>>
      %dma_start3A_93 = tpu.memref_squeeze %dma_start3A_92 : memref<1x1x80x128xi32, #tpu.memory_space<hbm>> -> memref<80x128xi32, #tpu.memory_space<hbm>>
      tpu.enqueue_dma source(%dma_start3A_93 : memref<80x128xi32, #tpu.memory_space<hbm>>) target(%arg7 : memref<80x128xi32, #tpu.memory_space<vmem>>) target_semaphore(%run_scoped3A_87 : memref<!tpu.dma_semaphore, #tpu.memory_space<semaphore_mem>>)
      %dma_wait3A_94 = arith.constant 0 : i32
      %dma_wait3A_95 = tpu.memref_slice %arg3[%run_scoped3A, %arg1, %mul3A_2, %dma_wait3A_94] : memref<2x16x160x128xi32, #tpu.memory_space<hbm>> -> memref<1x1x80x128xi32, #tpu.memory_space<hbm>>
      %dma_wait3A_96 = tpu.memref_squeeze %dma_wait3A_95 : memref<1x1x80x128xi32, #tpu.memory_space<hbm>> -> memref<80x128xi32, #tpu.memory_space<hbm>>
      %dma_wait3A_97 = arith.constant 0 : i32
      %dma_wait3A_98 = tpu.memref_slice %arg3[%run_scoped3A, %arg1, %mul3A_2, %dma_wait3A_97] : memref<2x16x160x128xi32, #tpu.memory_space<hbm>> -> memref<1x1x80x128xi32, #tpu.memory_space<hbm>>
      %dma_wait3A_99 = tpu.memref_squeeze %dma_wait3A_98 : memref<1x1x80x128xi32, #tpu.memory_space<hbm>> -> memref<80x128xi32, #tpu.memory_space<hbm>>
      tpu.wait_dma2 semaphore(%run_scoped3A_87 : memref<!tpu.dma_semaphore, #tpu.memory_space<semaphore_mem>>) src(%dma_wait3A_99 : memref<80x128xi32, #tpu.memory_space<hbm>>) dst(%arg7 : memref<80x128xi32, #tpu.memory_space<vmem>>)
      tpu.yield
    }) : () -> ()
    %mul3A_3 = arith.constant 80 : i32
    %mul3A_4 = arith.muli %arg0, %mul3A_3 : i32
    "tpu.region"() ({
      %run_scoped3A_87 = tpu.sem_alloc : memref<!tpu.dma_semaphore, #tpu.memory_space<semaphore_mem>>
      %dma_start3A_88 = arith.constant 0 : i32
      %dma_start3A_89 = tpu.memref_slice %arg4[%arg1, %mul3A_4, %dma_start3A_88] : memref<16x160x128xi32, #tpu.memory_space<hbm>> -> memref<1x80x128xi32, #tpu.memory_space<hbm>>
      %dma_start3A_90 = tpu.memref_squeeze %dma_start3A_89 : memref<1x80x128xi32, #tpu.memory_space<hbm>> -> memref<80x128xi32, #tpu.memory_space<hbm>>
      %dma_start3A_91 = arith.constant 0 : i32
      %dma_start3A_92 = tpu.memref_slice %arg4[%arg1, %mul3A_4, %dma_start3A_91] : memref<16x160x128xi32, #tpu.memory_space<hbm>> -> memref<1x80x128xi32, #tpu.memory_space<hbm>>
      %dma_start3A_93 = tpu.memref_squeeze %dma_start3A_92 : memref<1x80x128xi32, #tpu.memory_space<hbm>> -> memref<80x128xi32, #tpu.memory_space<hbm>>
      tpu.enqueue_dma source(%dma_start3A_93 : memref<80x128xi32, #tpu.memory_space<hbm>>) target(%arg8 : memref<80x128xi32, #tpu.memory_space<vmem>>) target_semaphore(%run_scoped3A_87 : memref<!tpu.dma_semaphore, #tpu.memory_space<semaphore_mem>>)
      %dma_wait3A_94 = arith.constant 0 : i32
      %dma_wait3A_95 = tpu.memref_slice %arg4[%arg1, %mul3A_4, %dma_wait3A_94] : memref<16x160x128xi32, #tpu.memory_space<hbm>> -> memref<1x80x128xi32, #tpu.memory_space<hbm>>
      %dma_wait3A_96 = tpu.memref_squeeze %dma_wait3A_95 : memref<1x80x128xi32, #tpu.memory_space<hbm>> -> memref<80x128xi32, #tpu.memory_space<hbm>>
      %dma_wait3A_97 = arith.constant 0 : i32
      %dma_wait3A_98 = tpu.memref_slice %arg4[%arg1, %mul3A_4, %dma_wait3A_97] : memref<16x160x128xi32, #tpu.memory_space<hbm>> -> memref<1x80x128xi32, #tpu.memory_space<hbm>>
      %dma_wait3A_99 = tpu.memref_squeeze %dma_wait3A_98 : memref<1x80x128xi32, #tpu.memory_space<hbm>> -> memref<80x128xi32, #tpu.memory_space<hbm>>
      tpu.wait_dma2 semaphore(%run_scoped3A_87 : memref<!tpu.dma_semaphore, #tpu.memory_space<semaphore_mem>>) src(%dma_wait3A_99 : memref<80x128xi32, #tpu.memory_space<hbm>>) dst(%arg8 : memref<80x128xi32, #tpu.memory_space<vmem>>)
      tpu.yield
    }) : () -> ()
    %dma_start3A = arith.constant 0 : i32
    %dma_start3A_5 = arith.constant 0 : i32
    %dma_start3A_6 = arith.constant 0 : i32
    %dma_start3A_7 = arith.constant 0 : i32
    %dma_start3A_8 = tpu.memref_slice %arg9[%dma_start3A_5, %dma_start3A_6, %dma_start3A_7] : memref<2x256x16xf32, #tpu.memory_space<vmem>> -> memref<1x128x16xf32, #tpu.memory_space<vmem>>
    %dma_start3A_9 = tpu.memref_squeeze %dma_start3A_8 : memref<1x128x16xf32, #tpu.memory_space<vmem>> -> memref<128x16xf32, #tpu.memory_space<vmem>>
    %dma_start3A_10 = arith.constant 0 : i32
    %dma_start3A_11 = tpu.memref_slice %arg7[%dma_start3A, %dma_start3A_10] : memref<80x128xi32, #tpu.memory_space<vmem>> -> memref<1x128xi32, #tpu.memory_space<vmem>>
    %dma_start3A_12 = tpu.memref_squeeze %dma_start3A_11 : memref<1x128xi32, #tpu.memory_space<vmem>> -> memref<128xi32, #tpu.memory_space<vmem>>
    %dma_start3A_13 = arith.constant 0 : i32
    %dma_start3A_14 = arith.constant 0 : i32
    %dma_start3A_15 = tpu.memref_slice %arg2[%dma_start3A_13, %dma_start3A_14] : memref<10000x16xf32, #tpu.memory_space<hbm>> -> memref<10000x16xf32, #tpu.memory_space<hbm>>
    tpu.enqueue_indirect_dma source(%dma_start3A_15 : memref<10000x16xf32, #tpu.memory_space<hbm>>) target(%dma_start3A_9 : memref<128x16xf32, #tpu.memory_space<vmem>>) offsets(%dma_start3A_12 : memref<128xi32, #tpu.memory_space<vmem>>) semaphore(%arg11 : memref<!tpu.dma_semaphore, #tpu.memory_space<semaphore_mem>>)
    %dma_start3A_16 = arith.constant 1 : i32
    %dma_start3A_17 = arith.constant 0 : i32
    %dma_start3A_18 = arith.constant 128 : i32
    %dma_start3A_19 = arith.constant 0 : i32
    %dma_start3A_20 = tpu.memref_slice %arg9[%dma_start3A_17, %dma_start3A_18, %dma_start3A_19] : memref<2x256x16xf32, #tpu.memory_space<vmem>> -> memref<1x128x16xf32, #tpu.memory_space<vmem>>
    %dma_start3A_21 = tpu.memref_squeeze %dma_start3A_20 : memref<1x128x16xf32, #tpu.memory_space<vmem>> -> memref<128x16xf32, #tpu.memory_space<vmem>>
    %dma_start3A_22 = arith.constant 0 : i32
    %dma_start3A_23 = tpu.memref_slice %arg7[%dma_start3A_16, %dma_start3A_22] : memref<80x128xi32, #tpu.memory_space<vmem>> -> memref<1x128xi32, #tpu.memory_space<vmem>>
    %dma_start3A_24 = tpu.memref_squeeze %dma_start3A_23 : memref<1x128xi32, #tpu.memory_space<vmem>> -> memref<128xi32, #tpu.memory_space<vmem>>
    %dma_start3A_25 = arith.constant 0 : i32
    %dma_start3A_26 = arith.constant 0 : i32
    %dma_start3A_27 = tpu.memref_slice %arg2[%dma_start3A_25, %dma_start3A_26] : memref<10000x16xf32, #tpu.memory_space<hbm>> -> memref<10000x16xf32, #tpu.memory_space<hbm>>
    tpu.enqueue_indirect_dma source(%dma_start3A_27 : memref<10000x16xf32, #tpu.memory_space<hbm>>) target(%dma_start3A_21 : memref<128x16xf32, #tpu.memory_space<vmem>>) offsets(%dma_start3A_24 : memref<128xi32, #tpu.memory_space<vmem>>) semaphore(%arg11 : memref<!tpu.dma_semaphore, #tpu.memory_space<semaphore_mem>>)
    %barrier3A = arith.constant 0 : index
    tpu.barrier barrier_id(%barrier3A)
    %scan3A = arith.constant 0 : i32
    %scan3A_28 = arith.constant 0 : i32
    %scan3A_29 = arith.constant 40 : i32
    %scan3A_30 = arith.addi %scan3A_28, %scan3A_29 : i32
    %scan3A_31 = arith.constant 1 : i32
    scf.for %scan3A_87 = %scan3A_28 to %scan3A_30 step %scan3A_31  : i32 {
      %rem3A = arith.constant 2 : i32
      %rem3A_88 = arith.remsi %scan3A_87, %rem3A : i32
      %sub3A = arith.constant 1 : i32
      %sub3A_89 = arith.subi %sub3A, %rem3A_88 : i32
      %add3A = arith.constant 1 : i32
      %add3A_90 = arith.addi %scan3A_87, %add3A : i32
      %lt3A = arith.constant 40 : i32
      %lt3A_91 = arith.cmpi slt, %add3A_90, %lt3A : i32
      %convert_element_type3A_92 = arith.extui %lt3A_91 : i1 to i32
      %cond3A_93 = arith.constant 0 : i32
      %cond3A_94 = arith.cmpi ne, %convert_element_type3A_92, %cond3A_93 : i32
      scf.if %cond3A_94 {
        %ge3A = arith.constant 1 : i32
        %ge3A_145 = arith.cmpi sge, %scan3A_87, %ge3A : i32
        %convert_element_type3A_146 = arith.extui %ge3A_145 : i1 to i32
        %cond3A_147 = arith.constant 0 : i32
        %cond3A_148 = arith.cmpi ne, %convert_element_type3A_146, %cond3A_147 : i32
        scf.if %cond3A_148 {
          %dma_wait3A_181 = arith.constant 0 : i32
          %dma_wait3A_182 = arith.constant 0 : i32
          %dma_wait3A_183 = arith.constant 0 : i32
          %dma_wait3A_184 = tpu.memref_slice %arg9[%sub3A_89, %dma_wait3A_182, %dma_wait3A_183] : memref<2x256x16xf32, #tpu.memory_space<vmem>> -> memref<1x128x16xf32, #tpu.memory_space<vmem>>
          %dma_wait3A_185 = tpu.memref_squeeze %dma_wait3A_184 : memref<1x128x16xf32, #tpu.memory_space<vmem>> -> memref<128x16xf32, #tpu.memory_space<vmem>>
          %dma_wait3A_186 = arith.constant 0 : i32
          %dma_wait3A_187 = tpu.memref_slice %arg7[%dma_wait3A_181, %dma_wait3A_186] : memref<80x128xi32, #tpu.memory_space<vmem>> -> memref<1x128xi32, #tpu.memory_space<vmem>>
          %dma_wait3A_188 = tpu.memref_squeeze %dma_wait3A_187 : memref<1x128xi32, #tpu.memory_space<vmem>> -> memref<128xi32, #tpu.memory_space<vmem>>
          %dma_wait3A_189 = arith.constant 0 : i32
          %dma_wait3A_190 = arith.constant 0 : i32
          %dma_wait3A_191 = tpu.memref_slice %arg2[%dma_wait3A_189, %dma_wait3A_190] : memref<10000x16xf32, #tpu.memory_space<hbm>> -> memref<10000x16xf32, #tpu.memory_space<hbm>>
          tpu.wait_indirect_dma semaphore(%arg12 : memref<!tpu.dma_semaphore, #tpu.memory_space<semaphore_mem>>) src(%dma_wait3A_191 : memref<10000x16xf32, #tpu.memory_space<hbm>>) dst(%dma_wait3A_185 : memref<128x16xf32, #tpu.memory_space<vmem>>)
          %dma_wait3A_192 = arith.constant 0 : i32
          %dma_wait3A_193 = arith.constant 128 : i32
          %dma_wait3A_194 = arith.constant 0 : i32
          %dma_wait3A_195 = tpu.memref_slice %arg9[%sub3A_89, %dma_wait3A_193, %dma_wait3A_194] : memref<2x256x16xf32, #tpu.memory_space<vmem>> -> memref<1x128x16xf32, #tpu.memory_space<vmem>>
          %dma_wait3A_196 = tpu.memref_squeeze %dma_wait3A_195 : memref<1x128x16xf32, #tpu.memory_space<vmem>> -> memref<128x16xf32, #tpu.memory_space<vmem>>
          %dma_wait3A_197 = arith.constant 0 : i32
          %dma_wait3A_198 = tpu.memref_slice %arg7[%dma_wait3A_192, %dma_wait3A_197] : memref<80x128xi32, #tpu.memory_space<vmem>> -> memref<1x128xi32, #tpu.memory_space<vmem>>
          %dma_wait3A_199 = tpu.memref_squeeze %dma_wait3A_198 : memref<1x128xi32, #tpu.memory_space<vmem>> -> memref<128xi32, #tpu.memory_space<vmem>>
          %dma_wait3A_200 = arith.constant 0 : i32
          %dma_wait3A_201 = arith.constant 0 : i32
          %dma_wait3A_202 = tpu.memref_slice %arg2[%dma_wait3A_200, %dma_wait3A_201] : memref<10000x16xf32, #tpu.memory_space<hbm>> -> memref<10000x16xf32, #tpu.memory_space<hbm>>
          tpu.wait_indirect_dma semaphore(%arg12 : memref<!tpu.dma_semaphore, #tpu.memory_space<semaphore_mem>>) src(%dma_wait3A_202 : memref<10000x16xf32, #tpu.memory_space<hbm>>) dst(%dma_wait3A_196 : memref<128x16xf32, #tpu.memory_space<vmem>>)
        } else {
        }
        %add3A_149 = arith.constant 1 : i32
        %add3A_150 = arith.addi %scan3A_87, %add3A_149 : i32
        %mul3A_151 = arith.constant 2 : i32
        %mul3A_152 = arith.muli %add3A_150, %mul3A_151 : i32
        %add3A_153 = arith.constant 0 : i32
        %add3A_154 = arith.addi %mul3A_152, %add3A_153 : i32
        %dma_start3A_155 = arith.constant 0 : i32
        %dma_start3A_156 = arith.constant 0 : i32
        %dma_start3A_157 = tpu.memref_slice %arg9[%sub3A_89, %dma_start3A_155, %dma_start3A_156] : memref<2x256x16xf32, #tpu.memory_space<vmem>> -> memref<1x128x16xf32, #tpu.memory_space<vmem>>
        %dma_start3A_158 = tpu.memref_squeeze %dma_start3A_157 : memref<1x128x16xf32, #tpu.memory_space<vmem>> -> memref<128x16xf32, #tpu.memory_space<vmem>>
        %dma_start3A_159 = arith.constant 0 : i32
        %dma_start3A_160 = tpu.memref_slice %arg7[%add3A_154, %dma_start3A_159] : memref<80x128xi32, #tpu.memory_space<vmem>> -> memref<1x128xi32, #tpu.memory_space<vmem>>
        %dma_start3A_161 = tpu.memref_squeeze %dma_start3A_160 : memref<1x128xi32, #tpu.memory_space<vmem>> -> memref<128xi32, #tpu.memory_space<vmem>>
        %dma_start3A_162 = arith.constant 0 : i32
        %dma_start3A_163 = arith.constant 0 : i32
        %dma_start3A_164 = tpu.memref_slice %arg2[%dma_start3A_162, %dma_start3A_163] : memref<10000x16xf32, #tpu.memory_space<hbm>> -> memref<10000x16xf32, #tpu.memory_space<hbm>>
        tpu.enqueue_indirect_dma source(%dma_start3A_164 : memref<10000x16xf32, #tpu.memory_space<hbm>>) target(%dma_start3A_158 : memref<128x16xf32, #tpu.memory_space<vmem>>) offsets(%dma_start3A_161 : memref<128xi32, #tpu.memory_space<vmem>>) semaphore(%arg11 : memref<!tpu.dma_semaphore, #tpu.memory_space<semaphore_mem>>)
        %add3A_165 = arith.constant 1 : i32
        %add3A_166 = arith.addi %scan3A_87, %add3A_165 : i32
        %mul3A_167 = arith.constant 2 : i32
        %mul3A_168 = arith.muli %add3A_166, %mul3A_167 : i32
        %add3A_169 = arith.constant 1 : i32
        %add3A_170 = arith.addi %mul3A_168, %add3A_169 : i32
        %dma_start3A_171 = arith.constant 128 : i32
        %dma_start3A_172 = arith.constant 0 : i32
        %dma_start3A_173 = tpu.memref_slice %arg9[%sub3A_89, %dma_start3A_171, %dma_start3A_172] : memref<2x256x16xf32, #tpu.memory_space<vmem>> -> memref<1x128x16xf32, #tpu.memory_space<vmem>>
        %dma_start3A_174 = tpu.memref_squeeze %dma_start3A_173 : memref<1x128x16xf32, #tpu.memory_space<vmem>> -> memref<128x16xf32, #tpu.memory_space<vmem>>
        %dma_start3A_175 = arith.constant 0 : i32
        %dma_start3A_176 = tpu.memref_slice %arg7[%add3A_170, %dma_start3A_175] : memref<80x128xi32, #tpu.memory_space<vmem>> -> memref<1x128xi32, #tpu.memory_space<vmem>>
        %dma_start3A_177 = tpu.memref_squeeze %dma_start3A_176 : memref<1x128xi32, #tpu.memory_space<vmem>> -> memref<128xi32, #tpu.memory_space<vmem>>
        %dma_start3A_178 = arith.constant 0 : i32
        %dma_start3A_179 = arith.constant 0 : i32
        %dma_start3A_180 = tpu.memref_slice %arg2[%dma_start3A_178, %dma_start3A_179] : memref<10000x16xf32, #tpu.memory_space<hbm>> -> memref<10000x16xf32, #tpu.memory_space<hbm>>
        tpu.enqueue_indirect_dma source(%dma_start3A_180 : memref<10000x16xf32, #tpu.memory_space<hbm>>) target(%dma_start3A_174 : memref<128x16xf32, #tpu.memory_space<vmem>>) offsets(%dma_start3A_177 : memref<128xi32, #tpu.memory_space<vmem>>) semaphore(%arg11 : memref<!tpu.dma_semaphore, #tpu.memory_space<semaphore_mem>>)
      } else {
      }
      %dma_wait3A_95 = arith.constant 0 : i32
      %dma_wait3A_96 = arith.constant 0 : i32
      %dma_wait3A_97 = arith.constant 0 : i32
      %dma_wait3A_98 = tpu.memref_slice %arg9[%rem3A_88, %dma_wait3A_96, %dma_wait3A_97] : memref<2x256x16xf32, #tpu.memory_space<vmem>> -> memref<1x128x16xf32, #tpu.memory_space<vmem>>
      %dma_wait3A_99 = tpu.memref_squeeze %dma_wait3A_98 : memref<1x128x16xf32, #tpu.memory_space<vmem>> -> memref<128x16xf32, #tpu.memory_space<vmem>>
      %dma_wait3A_100 = arith.constant 0 : i32
      %dma_wait3A_101 = tpu.memref_slice %arg7[%dma_wait3A_95, %dma_wait3A_100] : memref<80x128xi32, #tpu.memory_space<vmem>> -> memref<1x128xi32, #tpu.memory_space<vmem>>
      %dma_wait3A_102 = tpu.memref_squeeze %dma_wait3A_101 : memref<1x128xi32, #tpu.memory_space<vmem>> -> memref<128xi32, #tpu.memory_space<vmem>>
      %dma_wait3A_103 = arith.constant 0 : i32
      %dma_wait3A_104 = arith.constant 0 : i32
      %dma_wait3A_105 = tpu.memref_slice %arg2[%dma_wait3A_103, %dma_wait3A_104] : memref<10000x16xf32, #tpu.memory_space<hbm>> -> memref<10000x16xf32, #tpu.memory_space<hbm>>
      tpu.wait_indirect_dma semaphore(%arg11 : memref<!tpu.dma_semaphore, #tpu.memory_space<semaphore_mem>>) src(%dma_wait3A_105 : memref<10000x16xf32, #tpu.memory_space<hbm>>) dst(%dma_wait3A_99 : memref<128x16xf32, #tpu.memory_space<vmem>>)
      %dma_wait3A_106 = arith.constant 0 : i32
      %dma_wait3A_107 = arith.constant 128 : i32
      %dma_wait3A_108 = arith.constant 0 : i32
      %dma_wait3A_109 = tpu.memref_slice %arg9[%rem3A_88, %dma_wait3A_107, %dma_wait3A_108] : memref<2x256x16xf32, #tpu.memory_space<vmem>> -> memref<1x128x16xf32, #tpu.memory_space<vmem>>
      %dma_wait3A_110 = tpu.memref_squeeze %dma_wait3A_109 : memref<1x128x16xf32, #tpu.memory_space<vmem>> -> memref<128x16xf32, #tpu.memory_space<vmem>>
      %dma_wait3A_111 = arith.constant 0 : i32
      %dma_wait3A_112 = tpu.memref_slice %arg7[%dma_wait3A_106, %dma_wait3A_111] : memref<80x128xi32, #tpu.memory_space<vmem>> -> memref<1x128xi32, #tpu.memory_space<vmem>>
      %dma_wait3A_113 = tpu.memref_squeeze %dma_wait3A_112 : memref<1x128xi32, #tpu.memory_space<vmem>> -> memref<128xi32, #tpu.memory_space<vmem>>
      %dma_wait3A_114 = arith.constant 0 : i32
      %dma_wait3A_115 = arith.constant 0 : i32
      %dma_wait3A_116 = tpu.memref_slice %arg2[%dma_wait3A_114, %dma_wait3A_115] : memref<10000x16xf32, #tpu.memory_space<hbm>> -> memref<10000x16xf32, #tpu.memory_space<hbm>>
      tpu.wait_indirect_dma semaphore(%arg11 : memref<!tpu.dma_semaphore, #tpu.memory_space<semaphore_mem>>) src(%dma_wait3A_116 : memref<10000x16xf32, #tpu.memory_space<hbm>>) dst(%dma_wait3A_110 : memref<128x16xf32, #tpu.memory_space<vmem>>)
      %mul3A_117 = arith.constant 2 : i32
      %mul3A_118 = arith.muli %scan3A_87, %mul3A_117 : i32
      %add3A_119 = arith.constant 0 : i32
      %add3A_120 = arith.addi %mul3A_118, %add3A_119 : i32
      %dma_start3A_121 = arith.constant 0 : i32
      %dma_start3A_122 = arith.constant 0 : i32
      %dma_start3A_123 = tpu.memref_slice %arg9[%rem3A_88, %dma_start3A_121, %dma_start3A_122] : memref<2x256x16xf32, #tpu.memory_space<vmem>> -> memref<1x128x16xf32, #tpu.memory_space<vmem>>
      %dma_start3A_124 = tpu.memref_squeeze %dma_start3A_123 : memref<1x128x16xf32, #tpu.memory_space<vmem>> -> memref<128x16xf32, #tpu.memory_space<vmem>>
      %dma_start3A_125 = arith.constant 0 : i32
      %dma_start3A_126 = tpu.memref_slice %arg8[%add3A_120, %dma_start3A_125] : memref<80x128xi32, #tpu.memory_space<vmem>> -> memref<1x128xi32, #tpu.memory_space<vmem>>
      %dma_start3A_127 = tpu.memref_squeeze %dma_start3A_126 : memref<1x128xi32, #tpu.memory_space<vmem>> -> memref<128xi32, #tpu.memory_space<vmem>>
      %dma_start3A_128 = arith.constant 0 : i32
      %dma_start3A_129 = arith.constant 0 : i32
      %dma_start3A_130 = tpu.memref_slice %arg10[%dma_start3A_128, %dma_start3A_129] : memref<10112x16xf32, #tpu.memory_space<vmem_shared>> -> memref<10112x16xf32, #tpu.memory_space<vmem_shared>>
      tpu.enqueue_indirect_dma source(%dma_start3A_124 : memref<128x16xf32, #tpu.memory_space<vmem>>) target(%dma_start3A_130 : memref<10112x16xf32, #tpu.memory_space<vmem_shared>>) offsets(%dma_start3A_127 : memref<128xi32, #tpu.memory_space<vmem>>) semaphore(%arg12 : memref<!tpu.dma_semaphore, #tpu.memory_space<semaphore_mem>>) {add = true}
      %mul3A_131 = arith.constant 2 : i32
      %mul3A_132 = arith.muli %scan3A_87, %mul3A_131 : i32
      %add3A_133 = arith.constant 1 : i32
      %add3A_134 = arith.addi %mul3A_132, %add3A_133 : i32
      %dma_start3A_135 = arith.constant 128 : i32
      %dma_start3A_136 = arith.constant 0 : i32
      %dma_start3A_137 = tpu.memref_slice %arg9[%rem3A_88, %dma_start3A_135, %dma_start3A_136] : memref<2x256x16xf32, #tpu.memory_space<vmem>> -> memref<1x128x16xf32, #tpu.memory_space<vmem>>
      %dma_start3A_138 = tpu.memref_squeeze %dma_start3A_137 : memref<1x128x16xf32, #tpu.memory_space<vmem>> -> memref<128x16xf32, #tpu.memory_space<vmem>>
      %dma_start3A_139 = arith.constant 0 : i32
      %dma_start3A_140 = tpu.memref_slice %arg8[%add3A_134, %dma_start3A_139] : memref<80x128xi32, #tpu.memory_space<vmem>> -> memref<1x128xi32, #tpu.memory_space<vmem>>
      %dma_start3A_141 = tpu.memref_squeeze %dma_start3A_140 : memref<1x128xi32, #tpu.memory_space<vmem>> -> memref<128xi32, #tpu.memory_space<vmem>>
      %dma_start3A_142 = arith.constant 0 : i32
      %dma_start3A_143 = arith.constant 0 : i32
      %dma_start3A_144 = tpu.memref_slice %arg10[%dma_start3A_142, %dma_start3A_143] : memref<10112x16xf32, #tpu.memory_space<vmem_shared>> -> memref<10112x16xf32, #tpu.memory_space<vmem_shared>>
      tpu.enqueue_indirect_dma source(%dma_start3A_138 : memref<128x16xf32, #tpu.memory_space<vmem>>) target(%dma_start3A_144 : memref<10112x16xf32, #tpu.memory_space<vmem_shared>>) offsets(%dma_start3A_141 : memref<128xi32, #tpu.memory_space<vmem>>) semaphore(%arg12 : memref<!tpu.dma_semaphore, #tpu.memory_space<semaphore_mem>>) {add = true}
    }
    %scan3A_32 = arith.constant 40 : i32
    %dma_wait3A = arith.constant 0 : i32
    %dma_wait3A_33 = arith.constant 0 : i32
    %dma_wait3A_34 = arith.constant 0 : i32
    %dma_wait3A_35 = arith.constant 0 : i32
    %dma_wait3A_36 = tpu.memref_slice %arg9[%dma_wait3A_33, %dma_wait3A_34, %dma_wait3A_35] : memref<2x256x16xf32, #tpu.memory_space<vmem>> -> memref<1x128x16xf32, #tpu.memory_space<vmem>>
    %dma_wait3A_37 = tpu.memref_squeeze %dma_wait3A_36 : memref<1x128x16xf32, #tpu.memory_space<vmem>> -> memref<128x16xf32, #tpu.memory_space<vmem>>
    %dma_wait3A_38 = arith.constant 0 : i32
    %dma_wait3A_39 = tpu.memref_slice %arg7[%dma_wait3A, %dma_wait3A_38] : memref<80x128xi32, #tpu.memory_space<vmem>> -> memref<1x128xi32, #tpu.memory_space<vmem>>
    %dma_wait3A_40 = tpu.memref_squeeze %dma_wait3A_39 : memref<1x128xi32, #tpu.memory_space<vmem>> -> memref<128xi32, #tpu.memory_space<vmem>>
    %dma_wait3A_41 = arith.constant 0 : i32
    %dma_wait3A_42 = arith.constant 0 : i32
    %dma_wait3A_43 = tpu.memref_slice %arg2[%dma_wait3A_41, %dma_wait3A_42] : memref<10000x16xf32, #tpu.memory_space<hbm>> -> memref<10000x16xf32, #tpu.memory_space<hbm>>
    tpu.wait_indirect_dma semaphore(%arg12 : memref<!tpu.dma_semaphore, #tpu.memory_space<semaphore_mem>>) src(%dma_wait3A_43 : memref<10000x16xf32, #tpu.memory_space<hbm>>) dst(%dma_wait3A_37 : memref<128x16xf32, #tpu.memory_space<vmem>>)
    %dma_wait3A_44 = arith.constant 0 : i32
    %dma_wait3A_45 = arith.constant 0 : i32
    %dma_wait3A_46 = arith.constant 128 : i32
    %dma_wait3A_47 = arith.constant 0 : i32
    %dma_wait3A_48 = tpu.memref_slice %arg9[%dma_wait3A_45, %dma_wait3A_46, %dma_wait3A_47] : memref<2x256x16xf32, #tpu.memory_space<vmem>> -> memref<1x128x16xf32, #tpu.memory_space<vmem>>
    %dma_wait3A_49 = tpu.memref_squeeze %dma_wait3A_48 : memref<1x128x16xf32, #tpu.memory_space<vmem>> -> memref<128x16xf32, #tpu.memory_space<vmem>>
    %dma_wait3A_50 = arith.constant 0 : i32
    %dma_wait3A_51 = tpu.memref_slice %arg7[%dma_wait3A_44, %dma_wait3A_50] : memref<80x128xi32, #tpu.memory_space<vmem>> -> memref<1x128xi32, #tpu.memory_space<vmem>>
    %dma_wait3A_52 = tpu.memref_squeeze %dma_wait3A_51 : memref<1x128xi32, #tpu.memory_space<vmem>> -> memref<128xi32, #tpu.memory_space<vmem>>
    %dma_wait3A_53 = arith.constant 0 : i32
    %dma_wait3A_54 = arith.constant 0 : i32
    %dma_wait3A_55 = tpu.memref_slice %arg2[%dma_wait3A_53, %dma_wait3A_54] : memref<10000x16xf32, #tpu.memory_space<hbm>> -> memref<10000x16xf32, #tpu.memory_space<hbm>>
    tpu.wait_indirect_dma semaphore(%arg12 : memref<!tpu.dma_semaphore, #tpu.memory_space<semaphore_mem>>) src(%dma_wait3A_55 : memref<10000x16xf32, #tpu.memory_space<hbm>>) dst(%dma_wait3A_49 : memref<128x16xf32, #tpu.memory_space<vmem>>)
    %dma_wait3A_56 = arith.constant 0 : i32
    %dma_wait3A_57 = arith.constant 1 : i32
    %dma_wait3A_58 = arith.constant 0 : i32
    %dma_wait3A_59 = arith.constant 0 : i32
    %dma_wait3A_60 = tpu.memref_slice %arg9[%dma_wait3A_57, %dma_wait3A_58, %dma_wait3A_59] : memref<2x256x16xf32, #tpu.memory_space<vmem>> -> memref<1x128x16xf32, #tpu.memory_space<vmem>>
    %dma_wait3A_61 = tpu.memref_squeeze %dma_wait3A_60 : memref<1x128x16xf32, #tpu.memory_space<vmem>> -> memref<128x16xf32, #tpu.memory_space<vmem>>
    %dma_wait3A_62 = arith.constant 0 : i32
    %dma_wait3A_63 = tpu.memref_slice %arg7[%dma_wait3A_56, %dma_wait3A_62] : memref<80x128xi32, #tpu.memory_space<vmem>> -> memref<1x128xi32, #tpu.memory_space<vmem>>
    %dma_wait3A_64 = tpu.memref_squeeze %dma_wait3A_63 : memref<1x128xi32, #tpu.memory_space<vmem>> -> memref<128xi32, #tpu.memory_space<vmem>>
    %dma_wait3A_65 = arith.constant 0 : i32
    %dma_wait3A_66 = arith.constant 0 : i32
    %dma_wait3A_67 = tpu.memref_slice %arg2[%dma_wait3A_65, %dma_wait3A_66] : memref<10000x16xf32, #tpu.memory_space<hbm>> -> memref<10000x16xf32, #tpu.memory_space<hbm>>
    tpu.wait_indirect_dma semaphore(%arg12 : memref<!tpu.dma_semaphore, #tpu.memory_space<semaphore_mem>>) src(%dma_wait3A_67 : memref<10000x16xf32, #tpu.memory_space<hbm>>) dst(%dma_wait3A_61 : memref<128x16xf32, #tpu.memory_space<vmem>>)
    %dma_wait3A_68 = arith.constant 0 : i32
    %dma_wait3A_69 = arith.constant 1 : i32
    %dma_wait3A_70 = arith.constant 128 : i32
    %dma_wait3A_71 = arith.constant 0 : i32
    %dma_wait3A_72 = tpu.memref_slice %arg9[%dma_wait3A_69, %dma_wait3A_70, %dma_wait3A_71] : memref<2x256x16xf32, #tpu.memory_space<vmem>> -> memref<1x128x16xf32, #tpu.memory_space<vmem>>
    %dma_wait3A_73 = tpu.memref_squeeze %dma_wait3A_72 : memref<1x128x16xf32, #tpu.memory_space<vmem>> -> memref<128x16xf32, #tpu.memory_space<vmem>>
    %dma_wait3A_74 = arith.constant 0 : i32
    %dma_wait3A_75 = tpu.memref_slice %arg7[%dma_wait3A_68, %dma_wait3A_74] : memref<80x128xi32, #tpu.memory_space<vmem>> -> memref<1x128xi32, #tpu.memory_space<vmem>>
    %dma_wait3A_76 = tpu.memref_squeeze %dma_wait3A_75 : memref<1x128xi32, #tpu.memory_space<vmem>> -> memref<128xi32, #tpu.memory_space<vmem>>
    %dma_wait3A_77 = arith.constant 0 : i32
    %dma_wait3A_78 = arith.constant 0 : i32
    %dma_wait3A_79 = tpu.memref_slice %arg2[%dma_wait3A_77, %dma_wait3A_78] : memref<10000x16xf32, #tpu.memory_space<hbm>> -> memref<10000x16xf32, #tpu.memory_space<hbm>>
    tpu.wait_indirect_dma semaphore(%arg12 : memref<!tpu.dma_semaphore, #tpu.memory_space<semaphore_mem>>) src(%dma_wait3A_79 : memref<10000x16xf32, #tpu.memory_space<hbm>>) dst(%dma_wait3A_73 : memref<128x16xf32, #tpu.memory_space<vmem>>)
    %barrier3A_80 = arith.constant 0 : index
    tpu.barrier barrier_id(%barrier3A_80)
    %ne3A = arith.constant 15 : i32
    %ne3A_81 = arith.cmpi ne, %arg1, %ne3A : i32
    %convert_element_type3A = arith.extui %ne3A_81 : i1 to i32
    %cond3A = arith.constant 0 : i32
    %cond3A_82 = arith.cmpi ne, %convert_element_type3A, %cond3A : i32
    scf.if %cond3A_82 {
      "tpu.region"() ({
        %run_scoped3A_87 = tpu.sem_alloc : memref<!tpu.dma_semaphore, #tpu.memory_space<semaphore_mem>>
        %dma_start3A_88 = arith.constant 0 : i32
        %dma_start3A_89 = tpu.memref_slice %arg6[%arg0, %mul3A_0, %dma_start3A_88] : memref<2x10000x16xf32, #tpu.memory_space<hbm>> -> memref<1x632x16xf32, #tpu.memory_space<hbm>>
        %dma_start3A_90 = tpu.memref_squeeze %dma_start3A_89 : memref<1x632x16xf32, #tpu.memory_space<hbm>> -> memref<632x16xf32, #tpu.memory_space<hbm>>
        %dma_start3A_91 = arith.constant 0 : i32
        %dma_start3A_92 = tpu.memref_slice %arg10[%mul3A_0, %dma_start3A_91] : memref<10112x16xf32, #tpu.memory_space<vmem_shared>> -> memref<632x16xf32, #tpu.memory_space<vmem_shared>>
        tpu.enqueue_dma source(%dma_start3A_92 : memref<632x16xf32, #tpu.memory_space<vmem_shared>>) target(%dma_start3A_90 : memref<632x16xf32, #tpu.memory_space<hbm>>) target_semaphore(%run_scoped3A_87 : memref<!tpu.dma_semaphore, #tpu.memory_space<semaphore_mem>>)
        %dma_wait3A_93 = arith.constant 0 : i32
        %dma_wait3A_94 = tpu.memref_slice %arg6[%arg0, %mul3A_0, %dma_wait3A_93] : memref<2x10000x16xf32, #tpu.memory_space<hbm>> -> memref<1x632x16xf32, #tpu.memory_space<hbm>>
        %dma_wait3A_95 = tpu.memref_squeeze %dma_wait3A_94 : memref<1x632x16xf32, #tpu.memory_space<hbm>> -> memref<632x16xf32, #tpu.memory_space<hbm>>
        %dma_wait3A_96 = arith.constant 0 : i32
        %dma_wait3A_97 = tpu.memref_slice %arg10[%mul3A_0, %dma_wait3A_96] : memref<10112x16xf32, #tpu.memory_space<vmem_shared>> -> memref<632x16xf32, #tpu.memory_space<vmem_shared>>
        tpu.wait_dma2 semaphore(%run_scoped3A_87 : memref<!tpu.dma_semaphore, #tpu.memory_space<semaphore_mem>>) src(%dma_wait3A_97 : memref<632x16xf32, #tpu.memory_space<vmem_shared>>) dst(%dma_wait3A_95 : memref<632x16xf32, #tpu.memory_space<hbm>>)
        tpu.yield
      }) : () -> ()
    } else {
    }
    %eq3A = arith.constant 15 : i32
    %eq3A_83 = arith.cmpi eq, %arg1, %eq3A : i32
    %convert_element_type3A_84 = arith.extui %eq3A_83 : i1 to i32
    %cond3A_85 = arith.constant 0 : i32
    %cond3A_86 = arith.cmpi ne, %convert_element_type3A_84, %cond3A_85 : i32
    scf.if %cond3A_86 {
      "tpu.region"() ({
        %run_scoped3A_87 = tpu.sem_alloc : memref<!tpu.dma_semaphore, #tpu.memory_space<semaphore_mem>>
        %dma_start3A_88 = arith.constant 0 : i32
        %dma_start3A_89 = tpu.memref_slice %arg6[%arg0, %mul3A_0, %dma_start3A_88] : memref<2x10000x16xf32, #tpu.memory_space<hbm>> -> memref<1x520x16xf32, #tpu.memory_space<hbm>>
        %dma_start3A_90 = tpu.memref_squeeze %dma_start3A_89 : memref<1x520x16xf32, #tpu.memory_space<hbm>> -> memref<520x16xf32, #tpu.memory_space<hbm>>
        %dma_start3A_91 = arith.constant 0 : i32
        %dma_start3A_92 = tpu.memref_slice %arg10[%mul3A_0, %dma_start3A_91] : memref<10112x16xf32, #tpu.memory_space<vmem_shared>> -> memref<520x16xf32, #tpu.memory_space<vmem_shared>>
        tpu.enqueue_dma source(%dma_start3A_92 : memref<520x16xf32, #tpu.memory_space<vmem_shared>>) target(%dma_start3A_90 : memref<520x16xf32, #tpu.memory_space<hbm>>) target_semaphore(%run_scoped3A_87 : memref<!tpu.dma_semaphore, #tpu.memory_space<semaphore_mem>>)
        %dma_wait3A_93 = arith.constant 0 : i32
        %dma_wait3A_94 = tpu.memref_slice %arg6[%arg0, %mul3A_0, %dma_wait3A_93] : memref<2x10000x16xf32, #tpu.memory_space<hbm>> -> memref<1x520x16xf32, #tpu.memory_space<hbm>>
        %dma_wait3A_95 = tpu.memref_squeeze %dma_wait3A_94 : memref<1x520x16xf32, #tpu.memory_space<hbm>> -> memref<520x16xf32, #tpu.memory_space<hbm>>
        %dma_wait3A_96 = arith.constant 0 : i32
        %dma_wait3A_97 = tpu.memref_slice %arg10[%mul3A_0, %dma_wait3A_96] : memref<10112x16xf32, #tpu.memory_space<vmem_shared>> -> memref<520x16xf32, #tpu.memory_space<vmem_shared>>
        tpu.wait_dma2 semaphore(%run_scoped3A_87 : memref<!tpu.dma_semaphore, #tpu.memory_space<semaphore_mem>>) src(%dma_wait3A_97 : memref<520x16xf32, #tpu.memory_space<vmem_shared>>) dst(%dma_wait3A_95 : memref<520x16xf32, #tpu.memory_space<hbm>>)
        tpu.yield
      }) : () -> ()
    } else {
    }
    return
  }
}

#map = affine_map<(d0, d1) -> (0, 0)>
#map1 = affine_map<(d0, d1) -> (0, 0, 0, 0)>
#map2 = affine_map<(d0, d1) -> (0, 0, 0)>
module attributes {stable_mosaic.version = 14 : i64} {
  func.func @_sc_agg0(%arg0: i32, %arg1: i32, %arg2: memref<20000x32xi32, #tpu.memory_space<hbm>>, %arg3: memref<2x16x160x128xi32, #tpu.memory_space<hbm>>, %arg4: memref<16x160x128xi32, #tpu.memory_space<hbm>>, %arg5: memref<632x64xf32, #tpu.memory_space<hbm>>, %arg6: memref<632x8xf32, #tpu.memory_space<hbm>>, %arg7: memref<128x8xf32, #tpu.memory_space<hbm>>, %arg8: memref<2x10000x64xf32, #tpu.memory_space<hbm>>, %arg9: memref<2x10000x8xf32, #tpu.memory_space<hbm>>, %arg10: memref<160x128xi32, #tpu.memory_space<vmem>>, %arg11: memref<160x128xi32, #tpu.memory_space<vmem>>, %arg12: memref<2x128x32xi32, #tpu.memory_space<vmem>>, %arg13: memref<2x128x64xf32, #tpu.memory_space<vmem>>, %arg14: memref<128x8xf32, #tpu.memory_space<vmem>>, %arg15: memref<10112x64xf32, #tpu.memory_space<vmem_shared>>, %arg16: memref<10112x8xf32, #tpu.memory_space<vmem_shared>>, %arg17: memref<!tpu.dma_semaphore, #tpu.memory_space<semaphore_mem>>, %arg18: memref<!tpu.dma_semaphore, #tpu.memory_space<semaphore_mem>>, %arg19: memref<!tpu.dma_semaphore, #tpu.memory_space<semaphore_mem>>) attributes {dimension_semantics = [#tpu.dimension_semantics<core_parallel>, #tpu.dimension_semantics<subcore_parallel>], iteration_bounds = array<i64: 2, 16>, scalar_prefetch = 0 : i64, scratch_operands = 10 : i64, tpu.core_type = #tpu.core_type<sc_vector_subcore>, window_params = [{transform_indices = #map}, {transform_indices = #map1}, {transform_indices = #map2}, {transform_indices = #map}, {transform_indices = #map}, {transform_indices = #map}, {transform_indices = #map2}, {transform_indices = #map2}]} {
    %mul3A = arith.constant 632 : i32
    %mul3A_0 = arith.muli %arg1, %mul3A : i32
    "tpu.region"() ({
      %run_scoped3A = tpu.sem_alloc : memref<!tpu.dma_semaphore, #tpu.memory_space<semaphore_mem>>
      %dma_start3A_57 = arith.constant 0 : i32
      %dma_start3A_58 = tpu.memref_slice %arg15[%mul3A_0, %dma_start3A_57] : memref<10112x64xf32, #tpu.memory_space<vmem_shared>> -> memref<632x64xf32, #tpu.memory_space<vmem_shared>>
      tpu.enqueue_dma source(%arg5 : memref<632x64xf32, #tpu.memory_space<hbm>>) target(%dma_start3A_58 : memref<632x64xf32, #tpu.memory_space<vmem_shared>>) target_semaphore(%run_scoped3A : memref<!tpu.dma_semaphore, #tpu.memory_space<semaphore_mem>>)
      %dma_wait3A_59 = arith.constant 0 : i32
      %dma_wait3A_60 = tpu.memref_slice %arg15[%mul3A_0, %dma_wait3A_59] : memref<10112x64xf32, #tpu.memory_space<vmem_shared>> -> memref<632x64xf32, #tpu.memory_space<vmem_shared>>
      tpu.wait_dma2 semaphore(%run_scoped3A : memref<!tpu.dma_semaphore, #tpu.memory_space<semaphore_mem>>) src(%arg5 : memref<632x64xf32, #tpu.memory_space<hbm>>) dst(%dma_wait3A_60 : memref<632x64xf32, #tpu.memory_space<vmem_shared>>)
      tpu.yield
    }) : () -> ()
    "tpu.region"() ({
      %run_scoped3A = tpu.sem_alloc : memref<!tpu.dma_semaphore, #tpu.memory_space<semaphore_mem>>
      %dma_start3A_57 = arith.constant 0 : i32
      %dma_start3A_58 = tpu.memref_slice %arg16[%mul3A_0, %dma_start3A_57] : memref<10112x8xf32, #tpu.memory_space<vmem_shared>> -> memref<632x8xf32, #tpu.memory_space<vmem_shared>>
      tpu.enqueue_dma source(%arg6 : memref<632x8xf32, #tpu.memory_space<hbm>>) target(%dma_start3A_58 : memref<632x8xf32, #tpu.memory_space<vmem_shared>>) target_semaphore(%run_scoped3A : memref<!tpu.dma_semaphore, #tpu.memory_space<semaphore_mem>>)
      %dma_wait3A_59 = arith.constant 0 : i32
      %dma_wait3A_60 = tpu.memref_slice %arg16[%mul3A_0, %dma_wait3A_59] : memref<10112x8xf32, #tpu.memory_space<vmem_shared>> -> memref<632x8xf32, #tpu.memory_space<vmem_shared>>
      tpu.wait_dma2 semaphore(%run_scoped3A : memref<!tpu.dma_semaphore, #tpu.memory_space<semaphore_mem>>) src(%arg6 : memref<632x8xf32, #tpu.memory_space<hbm>>) dst(%dma_wait3A_60 : memref<632x8xf32, #tpu.memory_space<vmem_shared>>)
      tpu.yield
    }) : () -> ()
    "tpu.region"() ({
      %run_scoped3A = tpu.sem_alloc : memref<!tpu.dma_semaphore, #tpu.memory_space<semaphore_mem>>
      tpu.enqueue_dma source(%arg7 : memref<128x8xf32, #tpu.memory_space<hbm>>) target(%arg14 : memref<128x8xf32, #tpu.memory_space<vmem>>) target_semaphore(%run_scoped3A : memref<!tpu.dma_semaphore, #tpu.memory_space<semaphore_mem>>)
      tpu.wait_dma2 semaphore(%run_scoped3A : memref<!tpu.dma_semaphore, #tpu.memory_space<semaphore_mem>>) src(%arg7 : memref<128x8xf32, #tpu.memory_space<hbm>>) dst(%arg14 : memref<128x8xf32, #tpu.memory_space<vmem>>)
      tpu.yield
    }) : () -> ()
    "tpu.region"() ({
      %run_scoped3A = tpu.sem_alloc : memref<!tpu.dma_semaphore, #tpu.memory_space<semaphore_mem>>
      %dma_start3A_57 = arith.constant 0 : i32
      %dma_start3A_58 = arith.constant 0 : i32
      %dma_start3A_59 = tpu.memref_slice %arg3[%arg0, %arg1, %dma_start3A_57, %dma_start3A_58] : memref<2x16x160x128xi32, #tpu.memory_space<hbm>> -> memref<1x1x160x128xi32, #tpu.memory_space<hbm>>
      %dma_start3A_60 = tpu.memref_squeeze %dma_start3A_59 : memref<1x1x160x128xi32, #tpu.memory_space<hbm>> -> memref<160x128xi32, #tpu.memory_space<hbm>>
      %dma_start3A_61 = arith.constant 0 : i32
      %dma_start3A_62 = arith.constant 0 : i32
      %dma_start3A_63 = tpu.memref_slice %arg3[%arg0, %arg1, %dma_start3A_61, %dma_start3A_62] : memref<2x16x160x128xi32, #tpu.memory_space<hbm>> -> memref<1x1x160x128xi32, #tpu.memory_space<hbm>>
      %dma_start3A_64 = tpu.memref_squeeze %dma_start3A_63 : memref<1x1x160x128xi32, #tpu.memory_space<hbm>> -> memref<160x128xi32, #tpu.memory_space<hbm>>
      tpu.enqueue_dma source(%dma_start3A_64 : memref<160x128xi32, #tpu.memory_space<hbm>>) target(%arg10 : memref<160x128xi32, #tpu.memory_space<vmem>>) target_semaphore(%run_scoped3A : memref<!tpu.dma_semaphore, #tpu.memory_space<semaphore_mem>>)
      %dma_wait3A_65 = arith.constant 0 : i32
      %dma_wait3A_66 = arith.constant 0 : i32
      %dma_wait3A_67 = tpu.memref_slice %arg3[%arg0, %arg1, %dma_wait3A_65, %dma_wait3A_66] : memref<2x16x160x128xi32, #tpu.memory_space<hbm>> -> memref<1x1x160x128xi32, #tpu.memory_space<hbm>>
      %dma_wait3A_68 = tpu.memref_squeeze %dma_wait3A_67 : memref<1x1x160x128xi32, #tpu.memory_space<hbm>> -> memref<160x128xi32, #tpu.memory_space<hbm>>
      %dma_wait3A_69 = arith.constant 0 : i32
      %dma_wait3A_70 = arith.constant 0 : i32
      %dma_wait3A_71 = tpu.memref_slice %arg3[%arg0, %arg1, %dma_wait3A_69, %dma_wait3A_70] : memref<2x16x160x128xi32, #tpu.memory_space<hbm>> -> memref<1x1x160x128xi32, #tpu.memory_space<hbm>>
      %dma_wait3A_72 = tpu.memref_squeeze %dma_wait3A_71 : memref<1x1x160x128xi32, #tpu.memory_space<hbm>> -> memref<160x128xi32, #tpu.memory_space<hbm>>
      tpu.wait_dma2 semaphore(%run_scoped3A : memref<!tpu.dma_semaphore, #tpu.memory_space<semaphore_mem>>) src(%dma_wait3A_72 : memref<160x128xi32, #tpu.memory_space<hbm>>) dst(%arg10 : memref<160x128xi32, #tpu.memory_space<vmem>>)
      tpu.yield
    }) : () -> ()
    "tpu.region"() ({
      %run_scoped3A = tpu.sem_alloc : memref<!tpu.dma_semaphore, #tpu.memory_space<semaphore_mem>>
      %dma_start3A_57 = arith.constant 0 : i32
      %dma_start3A_58 = arith.constant 0 : i32
      %dma_start3A_59 = tpu.memref_slice %arg4[%arg1, %dma_start3A_57, %dma_start3A_58] : memref<16x160x128xi32, #tpu.memory_space<hbm>> -> memref<1x160x128xi32, #tpu.memory_space<hbm>>
      %dma_start3A_60 = tpu.memref_squeeze %dma_start3A_59 : memref<1x160x128xi32, #tpu.memory_space<hbm>> -> memref<160x128xi32, #tpu.memory_space<hbm>>
      %dma_start3A_61 = arith.constant 0 : i32
      %dma_start3A_62 = arith.constant 0 : i32
      %dma_start3A_63 = tpu.memref_slice %arg4[%arg1, %dma_start3A_61, %dma_start3A_62] : memref<16x160x128xi32, #tpu.memory_space<hbm>> -> memref<1x160x128xi32, #tpu.memory_space<hbm>>
      %dma_start3A_64 = tpu.memref_squeeze %dma_start3A_63 : memref<1x160x128xi32, #tpu.memory_space<hbm>> -> memref<160x128xi32, #tpu.memory_space<hbm>>
      tpu.enqueue_dma source(%dma_start3A_64 : memref<160x128xi32, #tpu.memory_space<hbm>>) target(%arg11 : memref<160x128xi32, #tpu.memory_space<vmem>>) target_semaphore(%run_scoped3A : memref<!tpu.dma_semaphore, #tpu.memory_space<semaphore_mem>>)
      %dma_wait3A_65 = arith.constant 0 : i32
      %dma_wait3A_66 = arith.constant 0 : i32
      %dma_wait3A_67 = tpu.memref_slice %arg4[%arg1, %dma_wait3A_65, %dma_wait3A_66] : memref<16x160x128xi32, #tpu.memory_space<hbm>> -> memref<1x160x128xi32, #tpu.memory_space<hbm>>
      %dma_wait3A_68 = tpu.memref_squeeze %dma_wait3A_67 : memref<1x160x128xi32, #tpu.memory_space<hbm>> -> memref<160x128xi32, #tpu.memory_space<hbm>>
      %dma_wait3A_69 = arith.constant 0 : i32
      %dma_wait3A_70 = arith.constant 0 : i32
      %dma_wait3A_71 = tpu.memref_slice %arg4[%arg1, %dma_wait3A_69, %dma_wait3A_70] : memref<16x160x128xi32, #tpu.memory_space<hbm>> -> memref<1x160x128xi32, #tpu.memory_space<hbm>>
      %dma_wait3A_72 = tpu.memref_squeeze %dma_wait3A_71 : memref<1x160x128xi32, #tpu.memory_space<hbm>> -> memref<160x128xi32, #tpu.memory_space<hbm>>
      tpu.wait_dma2 semaphore(%run_scoped3A : memref<!tpu.dma_semaphore, #tpu.memory_space<semaphore_mem>>) src(%dma_wait3A_72 : memref<160x128xi32, #tpu.memory_space<hbm>>) dst(%arg11 : memref<160x128xi32, #tpu.memory_space<vmem>>)
      tpu.yield
    }) : () -> ()
    %dma_start3A = arith.constant 0 : i32
    %dma_start3A_1 = arith.constant 0 : i32
    %dma_start3A_2 = arith.constant 0 : i32
    %dma_start3A_3 = arith.constant 0 : i32
    %dma_start3A_4 = tpu.memref_slice %arg12[%dma_start3A_1, %dma_start3A_2, %dma_start3A_3] : memref<2x128x32xi32, #tpu.memory_space<vmem>> -> memref<1x128x32xi32, #tpu.memory_space<vmem>>
    %dma_start3A_5 = tpu.memref_squeeze %dma_start3A_4 : memref<1x128x32xi32, #tpu.memory_space<vmem>> -> memref<128x32xi32, #tpu.memory_space<vmem>>
    %dma_start3A_6 = arith.constant 0 : i32
    %dma_start3A_7 = tpu.memref_slice %arg10[%dma_start3A, %dma_start3A_6] : memref<160x128xi32, #tpu.memory_space<vmem>> -> memref<1x128xi32, #tpu.memory_space<vmem>>
    %dma_start3A_8 = tpu.memref_squeeze %dma_start3A_7 : memref<1x128xi32, #tpu.memory_space<vmem>> -> memref<128xi32, #tpu.memory_space<vmem>>
    %dma_start3A_9 = arith.constant 0 : i32
    %dma_start3A_10 = arith.constant 0 : i32
    %dma_start3A_11 = tpu.memref_slice %arg2[%dma_start3A_9, %dma_start3A_10] : memref<20000x32xi32, #tpu.memory_space<hbm>> -> memref<20000x32xi32, #tpu.memory_space<hbm>>
    tpu.enqueue_indirect_dma source(%dma_start3A_11 : memref<20000x32xi32, #tpu.memory_space<hbm>>) target(%dma_start3A_5 : memref<128x32xi32, #tpu.memory_space<vmem>>) offsets(%dma_start3A_8 : memref<128xi32, #tpu.memory_space<vmem>>) semaphore(%arg17 : memref<!tpu.dma_semaphore, #tpu.memory_space<semaphore_mem>>)
    %barrier3A = arith.constant 0 : index
    tpu.barrier barrier_id(%barrier3A)
    %mul3A_12 = arith.constant 80 : i32
    %mul3A_13 = arith.muli %arg0, %mul3A_12 : i32
    %broadcast_in_dim3A = arith.constant -65536 : i32
    %broadcast_in_dim3A_14 = vector.broadcast %broadcast_in_dim3A : i32 to vector<16xi32>
    %scan3A = arith.constant 0 : i32
    %scan3A_15 = arith.constant 0 : i32
    %scan3A_16 = arith.constant 160 : i32
    %scan3A_17 = arith.addi %scan3A_15, %scan3A_16 : i32
    %scan3A_18 = arith.constant 1 : i32
    scf.for %scan3A_57 = %scan3A_15 to %scan3A_17 step %scan3A_18  : i32 {
      %rem3A = arith.constant 2 : i32
      %rem3A_58 = arith.remsi %scan3A_57, %rem3A : i32
      %sub3A = arith.constant 1 : i32
      %sub3A_59 = arith.subi %sub3A, %rem3A_58 : i32
      %dma_wait3A_60 = arith.constant 0 : i32
      %dma_wait3A_61 = arith.constant 0 : i32
      %dma_wait3A_62 = arith.constant 0 : i32
      %dma_wait3A_63 = tpu.memref_slice %arg12[%rem3A_58, %dma_wait3A_61, %dma_wait3A_62] : memref<2x128x32xi32, #tpu.memory_space<vmem>> -> memref<1x128x32xi32, #tpu.memory_space<vmem>>
      %dma_wait3A_64 = tpu.memref_squeeze %dma_wait3A_63 : memref<1x128x32xi32, #tpu.memory_space<vmem>> -> memref<128x32xi32, #tpu.memory_space<vmem>>
      %dma_wait3A_65 = arith.constant 0 : i32
      %dma_wait3A_66 = tpu.memref_slice %arg10[%dma_wait3A_60, %dma_wait3A_65] : memref<160x128xi32, #tpu.memory_space<vmem>> -> memref<1x128xi32, #tpu.memory_space<vmem>>
      %dma_wait3A_67 = tpu.memref_squeeze %dma_wait3A_66 : memref<1x128xi32, #tpu.memory_space<vmem>> -> memref<128xi32, #tpu.memory_space<vmem>>
      %dma_wait3A_68 = arith.constant 0 : i32
      %dma_wait3A_69 = arith.constant 0 : i32
      %dma_wait3A_70 = tpu.memref_slice %arg2[%dma_wait3A_68, %dma_wait3A_69] : memref<20000x32xi32, #tpu.memory_space<hbm>> -> memref<20000x32xi32, #tpu.memory_space<hbm>>
      tpu.wait_indirect_dma semaphore(%arg17 : memref<!tpu.dma_semaphore, #tpu.memory_space<semaphore_mem>>) src(%dma_wait3A_70 : memref<20000x32xi32, #tpu.memory_space<hbm>>) dst(%dma_wait3A_64 : memref<128x32xi32, #tpu.memory_space<vmem>>)
      %add3A = arith.constant 1 : i32
      %add3A_71 = arith.addi %scan3A_57, %add3A : i32
      %lt3A = arith.constant 160 : i32
      %lt3A_72 = arith.cmpi slt, %add3A_71, %lt3A : i32
      %convert_element_type3A_73 = arith.extui %lt3A_72 : i1 to i32
      %cond3A_74 = arith.constant 0 : i32
      %cond3A_75 = arith.cmpi ne, %convert_element_type3A_73, %cond3A_74 : i32
      scf.if %cond3A_75 {
        %add3A_103 = arith.constant 1 : i32
        %add3A_104 = arith.addi %scan3A_57, %add3A_103 : i32
        %dma_start3A_105 = arith.constant 0 : i32
        %dma_start3A_106 = arith.constant 0 : i32
        %dma_start3A_107 = tpu.memref_slice %arg12[%sub3A_59, %dma_start3A_105, %dma_start3A_106] : memref<2x128x32xi32, #tpu.memory_space<vmem>> -> memref<1x128x32xi32, #tpu.memory_space<vmem>>
        %dma_start3A_108 = tpu.memref_squeeze %dma_start3A_107 : memref<1x128x32xi32, #tpu.memory_space<vmem>> -> memref<128x32xi32, #tpu.memory_space<vmem>>
        %dma_start3A_109 = arith.constant 0 : i32
        %dma_start3A_110 = tpu.memref_slice %arg10[%add3A_104, %dma_start3A_109] : memref<160x128xi32, #tpu.memory_space<vmem>> -> memref<1x128xi32, #tpu.memory_space<vmem>>
        %dma_start3A_111 = tpu.memref_squeeze %dma_start3A_110 : memref<1x128xi32, #tpu.memory_space<vmem>> -> memref<128xi32, #tpu.memory_space<vmem>>
        %dma_start3A_112 = arith.constant 0 : i32
        %dma_start3A_113 = arith.constant 0 : i32
        %dma_start3A_114 = tpu.memref_slice %arg2[%dma_start3A_112, %dma_start3A_113] : memref<20000x32xi32, #tpu.memory_space<hbm>> -> memref<20000x32xi32, #tpu.memory_space<hbm>>
        tpu.enqueue_indirect_dma source(%dma_start3A_114 : memref<20000x32xi32, #tpu.memory_space<hbm>>) target(%dma_start3A_108 : memref<128x32xi32, #tpu.memory_space<vmem>>) offsets(%dma_start3A_111 : memref<128xi32, #tpu.memory_space<vmem>>) semaphore(%arg17 : memref<!tpu.dma_semaphore, #tpu.memory_space<semaphore_mem>>)
      } else {
      }
      %ge3A = arith.constant 2 : i32
      %ge3A_76 = arith.cmpi sge, %scan3A_57, %ge3A : i32
      %convert_element_type3A_77 = arith.extui %ge3A_76 : i1 to i32
      %cond3A_78 = arith.constant 0 : i32
      %cond3A_79 = arith.cmpi ne, %convert_element_type3A_77, %cond3A_78 : i32
      scf.if %cond3A_79 {
        %dma_wait3A_103 = arith.constant 0 : i32
        %dma_wait3A_104 = arith.constant 0 : i32
        %dma_wait3A_105 = arith.constant 0 : i32
        %dma_wait3A_106 = tpu.memref_slice %arg13[%rem3A_58, %dma_wait3A_104, %dma_wait3A_105] : memref<2x128x64xf32, #tpu.memory_space<vmem>> -> memref<1x128x64xf32, #tpu.memory_space<vmem>>
        %dma_wait3A_107 = tpu.memref_squeeze %dma_wait3A_106 : memref<1x128x64xf32, #tpu.memory_space<vmem>> -> memref<128x64xf32, #tpu.memory_space<vmem>>
        %dma_wait3A_108 = arith.constant 0 : i32
        %dma_wait3A_109 = tpu.memref_slice %arg11[%dma_wait3A_103, %dma_wait3A_108] : memref<160x128xi32, #tpu.memory_space<vmem>> -> memref<1x128xi32, #tpu.memory_space<vmem>>
        %dma_wait3A_110 = tpu.memref_squeeze %dma_wait3A_109 : memref<1x128xi32, #tpu.memory_space<vmem>> -> memref<128xi32, #tpu.memory_space<vmem>>
        %dma_wait3A_111 = arith.constant 0 : i32
        %dma_wait3A_112 = arith.constant 0 : i32
        %dma_wait3A_113 = tpu.memref_slice %arg15[%dma_wait3A_111, %dma_wait3A_112] : memref<10112x64xf32, #tpu.memory_space<vmem_shared>> -> memref<10112x64xf32, #tpu.memory_space<vmem_shared>>
        tpu.wait_indirect_dma semaphore(%arg18 : memref<!tpu.dma_semaphore, #tpu.memory_space<semaphore_mem>>) src(%dma_wait3A_107 : memref<128x64xf32, #tpu.memory_space<vmem>>) dst(%dma_wait3A_113 : memref<10112x64xf32, #tpu.memory_space<vmem_shared>>)
      } else {
      }
      %scan3A_80 = arith.constant 0 : i32
      %scan3A_81 = arith.constant 0 : i32
      %scan3A_82 = arith.constant 128 : i32
      %scan3A_83 = arith.addi %scan3A_81, %scan3A_82 : i32
      %scan3A_84 = arith.constant 1 : i32
      scf.for %scan3A_103 = %scan3A_81 to %scan3A_83 step %scan3A_84  : i32 {
        %get3A = arith.index_cast %rem3A_58 : i32 to index
        %get3A_104 = arith.index_cast %scan3A_103 : i32 to index
        %get3A_105 = arith.constant 0 : index
        %get3A_106 = tpu.vector_load %arg12[%get3A, %get3A_104, %get3A_105] {strides = array<i32>} : memref<2x128x32xi32, #tpu.memory_space<vmem>>, vector<16xi32>,
        %shift_left3A = arith.constant 16 : i32
        %shift_left3A_107 = vector.broadcast %shift_left3A : i32 to vector<16xi32>
        %shift_left3A_108 = arith.shli %get3A_106, %shift_left3A_107 : vector<16xi32>
        %bitcast3A = vector.bitcast %shift_left3A_108 : vector<16xi32> to vector<16xf32>
        %and3A_109 = arith.andi %get3A_106, %broadcast_in_dim3A_14 : vector<16xi32>
        %bitcast3A_110 = vector.bitcast %and3A_109 : vector<16xi32> to vector<16xf32>
        %swap3A = arith.index_cast %rem3A_58 : i32 to index
        %swap3A_111 = arith.index_cast %scan3A_103 : i32 to index
        %swap3A_112 = arith.constant 0 : index
        %swap3A_113 = tpu.vector_load %arg13[%swap3A, %swap3A_111, %swap3A_112] {strides = array<i32>} : memref<2x128x64xf32, #tpu.memory_space<vmem>>, vector<16xf32>,
        tpu.vector_store %arg13[%swap3A, %swap3A_111, %swap3A_112], %bitcast3A {strides = array<i32>} : memref<2x128x64xf32, #tpu.memory_space<vmem>>, vector<16xf32>,
        %swap3A_114 = arith.index_cast %rem3A_58 : i32 to index
        %swap3A_115 = arith.index_cast %scan3A_103 : i32 to index
        %swap3A_116 = arith.constant 16 : index
        %swap3A_117 = tpu.vector_load %arg13[%swap3A_114, %swap3A_115, %swap3A_116] {strides = array<i32>} : memref<2x128x64xf32, #tpu.memory_space<vmem>>, vector<16xf32>,
        tpu.vector_store %arg13[%swap3A_114, %swap3A_115, %swap3A_116], %bitcast3A_110 {strides = array<i32>} : memref<2x128x64xf32, #tpu.memory_space<vmem>>, vector<16xf32>,
        %get3A_118 = arith.index_cast %rem3A_58 : i32 to index
        %get3A_119 = arith.index_cast %scan3A_103 : i32 to index
        %get3A_120 = arith.constant 16 : index
        %get3A_121 = tpu.vector_load %arg12[%get3A_118, %get3A_119, %get3A_120] {strides = array<i32>} : memref<2x128x32xi32, #tpu.memory_space<vmem>>, vector<16xi32>,
        %shift_left3A_122 = arith.constant 16 : i32
        %shift_left3A_123 = vector.broadcast %shift_left3A_122 : i32 to vector<16xi32>
        %shift_left3A_124 = arith.shli %get3A_121, %shift_left3A_123 : vector<16xi32>
        %bitcast3A_125 = vector.bitcast %shift_left3A_124 : vector<16xi32> to vector<16xf32>
        %and3A_126 = arith.andi %get3A_121, %broadcast_in_dim3A_14 : vector<16xi32>
        %bitcast3A_127 = vector.bitcast %and3A_126 : vector<16xi32> to vector<16xf32>
        %swap3A_128 = arith.index_cast %rem3A_58 : i32 to index
        %swap3A_129 = arith.index_cast %scan3A_103 : i32 to index
        %swap3A_130 = arith.constant 32 : index
        %swap3A_131 = tpu.vector_load %arg13[%swap3A_128, %swap3A_129, %swap3A_130] {strides = array<i32>} : memref<2x128x64xf32, #tpu.memory_space<vmem>>, vector<16xf32>,
        tpu.vector_store %arg13[%swap3A_128, %swap3A_129, %swap3A_130], %bitcast3A_125 {strides = array<i32>} : memref<2x128x64xf32, #tpu.memory_space<vmem>>, vector<16xf32>,
        %swap3A_132 = arith.index_cast %rem3A_58 : i32 to index
        %swap3A_133 = arith.index_cast %scan3A_103 : i32 to index
        %swap3A_134 = arith.constant 48 : index
        %swap3A_135 = tpu.vector_load %arg13[%swap3A_132, %swap3A_133, %swap3A_134] {strides = array<i32>} : memref<2x128x64xf32, #tpu.memory_space<vmem>>, vector<16xf32>,
        tpu.vector_store %arg13[%swap3A_132, %swap3A_133, %swap3A_134], %bitcast3A_127 {strides = array<i32>} : memref<2x128x64xf32, #tpu.memory_space<vmem>>, vector<16xf32>,
      }
      %scan3A_85 = arith.constant 128 : i32
      %dma_start3A_86 = arith.constant 0 : i32
      %dma_start3A_87 = arith.constant 0 : i32
      %dma_start3A_88 = tpu.memref_slice %arg13[%rem3A_58, %dma_start3A_86, %dma_start3A_87] : memref<2x128x64xf32, #tpu.memory_space<vmem>> -> memref<1x128x64xf32, #tpu.memory_space<vmem>>
      %dma_start3A_89 = tpu.memref_squeeze %dma_start3A_88 : memref<1x128x64xf32, #tpu.memory_space<vmem>> -> memref<128x64xf32, #tpu.memory_space<vmem>>
      %dma_start3A_90 = arith.constant 0 : i32
      %dma_start3A_91 = tpu.memref_slice %arg11[%scan3A_57, %dma_start3A_90] : memref<160x128xi32, #tpu.memory_space<vmem>> -> memref<1x128xi32, #tpu.memory_space<vmem>>
      %dma_start3A_92 = tpu.memref_squeeze %dma_start3A_91 : memref<1x128xi32, #tpu.memory_space<vmem>> -> memref<128xi32, #tpu.memory_space<vmem>>
      %dma_start3A_93 = arith.constant 0 : i32
      %dma_start3A_94 = arith.constant 0 : i32
      %dma_start3A_95 = tpu.memref_slice %arg15[%dma_start3A_93, %dma_start3A_94] : memref<10112x64xf32, #tpu.memory_space<vmem_shared>> -> memref<10112x64xf32, #tpu.memory_space<vmem_shared>>
      tpu.enqueue_indirect_dma source(%dma_start3A_89 : memref<128x64xf32, #tpu.memory_space<vmem>>) target(%dma_start3A_95 : memref<10112x64xf32, #tpu.memory_space<vmem_shared>>) offsets(%dma_start3A_92 : memref<128xi32, #tpu.memory_space<vmem>>) semaphore(%arg18 : memref<!tpu.dma_semaphore, #tpu.memory_space<semaphore_mem>>) {add = true}
      %ge3A_96 = arith.cmpi sge, %scan3A_57, %mul3A_13 : i32
      %add3A_97 = arith.constant 80 : i32
      %add3A_98 = arith.addi %mul3A_13, %add3A_97 : i32
      %lt3A_99 = arith.cmpi slt, %scan3A_57, %add3A_98 : i32
      %and3A = arith.andi %ge3A_96, %lt3A_99 : i1
      %convert_element_type3A_100 = arith.extui %and3A : i1 to i32
      %cond3A_101 = arith.constant 0 : i32
      %cond3A_102 = arith.cmpi ne, %convert_element_type3A_100, %cond3A_101 : i32
      scf.if %cond3A_102 {
        %gt3A = arith.cmpi sgt, %scan3A_57, %mul3A_13 : i32
        %convert_element_type3A_103 = arith.extui %gt3A : i1 to i32
        %cond3A_104 = arith.constant 0 : i32
        %cond3A_105 = arith.cmpi ne, %convert_element_type3A_103, %cond3A_104 : i32
        scf.if %cond3A_105 {
          %dma_wait3A_112 = arith.constant 0 : i32
          %dma_wait3A_113 = arith.constant 0 : i32
          %dma_wait3A_114 = tpu.memref_slice %arg11[%dma_wait3A_112, %dma_wait3A_113] : memref<160x128xi32, #tpu.memory_space<vmem>> -> memref<1x128xi32, #tpu.memory_space<vmem>>
          %dma_wait3A_115 = tpu.memref_squeeze %dma_wait3A_114 : memref<1x128xi32, #tpu.memory_space<vmem>> -> memref<128xi32, #tpu.memory_space<vmem>>
          %dma_wait3A_116 = arith.constant 0 : i32
          %dma_wait3A_117 = arith.constant 0 : i32
          %dma_wait3A_118 = tpu.memref_slice %arg16[%dma_wait3A_116, %dma_wait3A_117] : memref<10112x8xf32, #tpu.memory_space<vmem_shared>> -> memref<10112x8xf32, #tpu.memory_space<vmem_shared>>
          tpu.wait_indirect_dma semaphore(%arg19 : memref<!tpu.dma_semaphore, #tpu.memory_space<semaphore_mem>>) src(%arg14 : memref<128x8xf32, #tpu.memory_space<vmem>>) dst(%dma_wait3A_118 : memref<10112x8xf32, #tpu.memory_space<vmem_shared>>)
        } else {
        }
        %dma_start3A_106 = arith.constant 0 : i32
        %dma_start3A_107 = tpu.memref_slice %arg11[%scan3A_57, %dma_start3A_106] : memref<160x128xi32, #tpu.memory_space<vmem>> -> memref<1x128xi32, #tpu.memory_space<vmem>>
        %dma_start3A_108 = tpu.memref_squeeze %dma_start3A_107 : memref<1x128xi32, #tpu.memory_space<vmem>> -> memref<128xi32, #tpu.memory_space<vmem>>
        %dma_start3A_109 = arith.constant 0 : i32
        %dma_start3A_110 = arith.constant 0 : i32
        %dma_start3A_111 = tpu.memref_slice %arg16[%dma_start3A_109, %dma_start3A_110] : memref<10112x8xf32, #tpu.memory_space<vmem_shared>> -> memref<10112x8xf32, #tpu.memory_space<vmem_shared>>
        tpu.enqueue_indirect_dma source(%arg14 : memref<128x8xf32, #tpu.memory_space<vmem>>) target(%dma_start3A_111 : memref<10112x8xf32, #tpu.memory_space<vmem_shared>>) offsets(%dma_start3A_108 : memref<128xi32, #tpu.memory_space<vmem>>) semaphore(%arg19 : memref<!tpu.dma_semaphore, #tpu.memory_space<semaphore_mem>>) {add = true}
      } else {
      }
    }
    %scan3A_19 = arith.constant 160 : i32
    %dma_wait3A = arith.constant 0 : i32
    %dma_wait3A_20 = arith.constant 0 : i32
    %dma_wait3A_21 = arith.constant 0 : i32
    %dma_wait3A_22 = arith.constant 0 : i32
    %dma_wait3A_23 = tpu.memref_slice %arg13[%dma_wait3A, %dma_wait3A_21, %dma_wait3A_22] : memref<2x128x64xf32, #tpu.memory_space<vmem>> -> memref<1x128x64xf32, #tpu.memory_space<vmem>>
    %dma_wait3A_24 = tpu.memref_squeeze %dma_wait3A_23 : memref<1x128x64xf32, #tpu.memory_space<vmem>> -> memref<128x64xf32, #tpu.memory_space<vmem>>
    %dma_wait3A_25 = arith.constant 0 : i32
    %dma_wait3A_26 = tpu.memref_slice %arg11[%dma_wait3A_20, %dma_wait3A_25] : memref<160x128xi32, #tpu.memory_space<vmem>> -> memref<1x128xi32, #tpu.memory_space<vmem>>
    %dma_wait3A_27 = tpu.memref_squeeze %dma_wait3A_26 : memref<1x128xi32, #tpu.memory_space<vmem>> -> memref<128xi32, #tpu.memory_space<vmem>>
    %dma_wait3A_28 = arith.constant 0 : i32
    %dma_wait3A_29 = arith.constant 0 : i32
    %dma_wait3A_30 = tpu.memref_slice %arg15[%dma_wait3A_28, %dma_wait3A_29] : memref<10112x64xf32, #tpu.memory_space<vmem_shared>> -> memref<10112x64xf32, #tpu.memory_space<vmem_shared>>
    tpu.wait_indirect_dma semaphore(%arg18 : memref<!tpu.dma_semaphore, #tpu.memory_space<semaphore_mem>>) src(%dma_wait3A_24 : memref<128x64xf32, #tpu.memory_space<vmem>>) dst(%dma_wait3A_30 : memref<10112x64xf32, #tpu.memory_space<vmem_shared>>)
    %dma_wait3A_31 = arith.constant 1 : i32
    %dma_wait3A_32 = arith.constant 0 : i32
    %dma_wait3A_33 = arith.constant 0 : i32
    %dma_wait3A_34 = arith.constant 0 : i32
    %dma_wait3A_35 = tpu.memref_slice %arg13[%dma_wait3A_31, %dma_wait3A_33, %dma_wait3A_34] : memref<2x128x64xf32, #tpu.memory_space<vmem>> -> memref<1x128x64xf32, #tpu.memory_space<vmem>>
    %dma_wait3A_36 = tpu.memref_squeeze %dma_wait3A_35 : memref<1x128x64xf32, #tpu.memory_space<vmem>> -> memref<128x64xf32, #tpu.memory_space<vmem>>
    %dma_wait3A_37 = arith.constant 0 : i32
    %dma_wait3A_38 = tpu.memref_slice %arg11[%dma_wait3A_32, %dma_wait3A_37] : memref<160x128xi32, #tpu.memory_space<vmem>> -> memref<1x128xi32, #tpu.memory_space<vmem>>
    %dma_wait3A_39 = tpu.memref_squeeze %dma_wait3A_38 : memref<1x128xi32, #tpu.memory_space<vmem>> -> memref<128xi32, #tpu.memory_space<vmem>>
    %dma_wait3A_40 = arith.constant 0 : i32
    %dma_wait3A_41 = arith.constant 0 : i32
    %dma_wait3A_42 = tpu.memref_slice %arg15[%dma_wait3A_40, %dma_wait3A_41] : memref<10112x64xf32, #tpu.memory_space<vmem_shared>> -> memref<10112x64xf32, #tpu.memory_space<vmem_shared>>
    tpu.wait_indirect_dma semaphore(%arg18 : memref<!tpu.dma_semaphore, #tpu.memory_space<semaphore_mem>>) src(%dma_wait3A_36 : memref<128x64xf32, #tpu.memory_space<vmem>>) dst(%dma_wait3A_42 : memref<10112x64xf32, #tpu.memory_space<vmem_shared>>)
    %dma_wait3A_43 = arith.constant 0 : i32
    %dma_wait3A_44 = arith.constant 0 : i32
    %dma_wait3A_45 = tpu.memref_slice %arg11[%dma_wait3A_43, %dma_wait3A_44] : memref<160x128xi32, #tpu.memory_space<vmem>> -> memref<1x128xi32, #tpu.memory_space<vmem>>
    %dma_wait3A_46 = tpu.memref_squeeze %dma_wait3A_45 : memref<1x128xi32, #tpu.memory_space<vmem>> -> memref<128xi32, #tpu.memory_space<vmem>>
    %dma_wait3A_47 = arith.constant 0 : i32
    %dma_wait3A_48 = arith.constant 0 : i32
    %dma_wait3A_49 = tpu.memref_slice %arg16[%dma_wait3A_47, %dma_wait3A_48] : memref<10112x8xf32, #tpu.memory_space<vmem_shared>> -> memref<10112x8xf32, #tpu.memory_space<vmem_shared>>
    tpu.wait_indirect_dma semaphore(%arg19 : memref<!tpu.dma_semaphore, #tpu.memory_space<semaphore_mem>>) src(%arg14 : memref<128x8xf32, #tpu.memory_space<vmem>>) dst(%dma_wait3A_49 : memref<10112x8xf32, #tpu.memory_space<vmem_shared>>)
    %barrier3A_50 = arith.constant 0 : index
    tpu.barrier barrier_id(%barrier3A_50)
    %ne3A = arith.constant 15 : i32
    %ne3A_51 = arith.cmpi ne, %arg1, %ne3A : i32
    %convert_element_type3A = arith.extui %ne3A_51 : i1 to i32
    %cond3A = arith.constant 0 : i32
    %cond3A_52 = arith.cmpi ne, %convert_element_type3A, %cond3A : i32
    scf.if %cond3A_52 {
      "tpu.region"() ({
        %run_scoped3A = tpu.sem_alloc : memref<!tpu.dma_semaphore, #tpu.memory_space<semaphore_mem>>
        %dma_start3A_57 = arith.constant 0 : i32
        %dma_start3A_58 = tpu.memref_slice %arg8[%arg0, %mul3A_0, %dma_start3A_57] : memref<2x10000x64xf32, #tpu.memory_space<hbm>> -> memref<1x632x64xf32, #tpu.memory_space<hbm>>
        %dma_start3A_59 = tpu.memref_squeeze %dma_start3A_58 : memref<1x632x64xf32, #tpu.memory_space<hbm>> -> memref<632x64xf32, #tpu.memory_space<hbm>>
        %dma_start3A_60 = arith.constant 0 : i32
        %dma_start3A_61 = tpu.memref_slice %arg15[%mul3A_0, %dma_start3A_60] : memref<10112x64xf32, #tpu.memory_space<vmem_shared>> -> memref<632x64xf32, #tpu.memory_space<vmem_shared>>
        tpu.enqueue_dma source(%dma_start3A_61 : memref<632x64xf32, #tpu.memory_space<vmem_shared>>) target(%dma_start3A_59 : memref<632x64xf32, #tpu.memory_space<hbm>>) target_semaphore(%run_scoped3A : memref<!tpu.dma_semaphore, #tpu.memory_space<semaphore_mem>>)
        %dma_wait3A_62 = arith.constant 0 : i32
        %dma_wait3A_63 = tpu.memref_slice %arg8[%arg0, %mul3A_0, %dma_wait3A_62] : memref<2x10000x64xf32, #tpu.memory_space<hbm>> -> memref<1x632x64xf32, #tpu.memory_space<hbm>>
        %dma_wait3A_64 = tpu.memref_squeeze %dma_wait3A_63 : memref<1x632x64xf32, #tpu.memory_space<hbm>> -> memref<632x64xf32, #tpu.memory_space<hbm>>
        %dma_wait3A_65 = arith.constant 0 : i32
        %dma_wait3A_66 = tpu.memref_slice %arg15[%mul3A_0, %dma_wait3A_65] : memref<10112x64xf32, #tpu.memory_space<vmem_shared>> -> memref<632x64xf32, #tpu.memory_space<vmem_shared>>
        tpu.wait_dma2 semaphore(%run_scoped3A : memref<!tpu.dma_semaphore, #tpu.memory_space<semaphore_mem>>) src(%dma_wait3A_66 : memref<632x64xf32, #tpu.memory_space<vmem_shared>>) dst(%dma_wait3A_64 : memref<632x64xf32, #tpu.memory_space<hbm>>)
        tpu.yield
      }) : () -> ()
      "tpu.region"() ({
        %run_scoped3A = tpu.sem_alloc : memref<!tpu.dma_semaphore, #tpu.memory_space<semaphore_mem>>
        %dma_start3A_57 = arith.constant 0 : i32
        %dma_start3A_58 = tpu.memref_slice %arg9[%arg0, %mul3A_0, %dma_start3A_57] : memref<2x10000x8xf32, #tpu.memory_space<hbm>> -> memref<1x632x8xf32, #tpu.memory_space<hbm>>
        %dma_start3A_59 = tpu.memref_squeeze %dma_start3A_58 : memref<1x632x8xf32, #tpu.memory_space<hbm>> -> memref<632x8xf32, #tpu.memory_space<hbm>>
        %dma_start3A_60 = arith.constant 0 : i32
        %dma_start3A_61 = tpu.memref_slice %arg16[%mul3A_0, %dma_start3A_60] : memref<10112x8xf32, #tpu.memory_space<vmem_shared>> -> memref<632x8xf32, #tpu.memory_space<vmem_shared>>
        tpu.enqueue_dma source(%dma_start3A_61 : memref<632x8xf32, #tpu.memory_space<vmem_shared>>) target(%dma_start3A_59 : memref<632x8xf32, #tpu.memory_space<hbm>>) target_semaphore(%run_scoped3A : memref<!tpu.dma_semaphore, #tpu.memory_space<semaphore_mem>>)
        %dma_wait3A_62 = arith.constant 0 : i32
        %dma_wait3A_63 = tpu.memref_slice %arg9[%arg0, %mul3A_0, %dma_wait3A_62] : memref<2x10000x8xf32, #tpu.memory_space<hbm>> -> memref<1x632x8xf32, #tpu.memory_space<hbm>>
        %dma_wait3A_64 = tpu.memref_squeeze %dma_wait3A_63 : memref<1x632x8xf32, #tpu.memory_space<hbm>> -> memref<632x8xf32, #tpu.memory_space<hbm>>
        %dma_wait3A_65 = arith.constant 0 : i32
        %dma_wait3A_66 = tpu.memref_slice %arg16[%mul3A_0, %dma_wait3A_65] : memref<10112x8xf32, #tpu.memory_space<vmem_shared>> -> memref<632x8xf32, #tpu.memory_space<vmem_shared>>
        tpu.wait_dma2 semaphore(%run_scoped3A : memref<!tpu.dma_semaphore, #tpu.memory_space<semaphore_mem>>) src(%dma_wait3A_66 : memref<632x8xf32, #tpu.memory_space<vmem_shared>>) dst(%dma_wait3A_64 : memref<632x8xf32, #tpu.memory_space<hbm>>)
        tpu.yield
      }) : () -> ()
    } else {
    }
    %eq3A = arith.constant 15 : i32
    %eq3A_53 = arith.cmpi eq, %arg1, %eq3A : i32
    %convert_element_type3A_54 = arith.extui %eq3A_53 : i1 to i32
    %cond3A_55 = arith.constant 0 : i32
    %cond3A_56 = arith.cmpi ne, %convert_element_type3A_54, %cond3A_55 : i32
    scf.if %cond3A_56 {
      "tpu.region"() ({
        %run_scoped3A = tpu.sem_alloc : memref<!tpu.dma_semaphore, #tpu.memory_space<semaphore_mem>>
        %dma_start3A_57 = arith.constant 0 : i32
        %dma_start3A_58 = tpu.memref_slice %arg8[%arg0, %mul3A_0, %dma_start3A_57] : memref<2x10000x64xf32, #tpu.memory_space<hbm>> -> memref<1x520x64xf32, #tpu.memory_space<hbm>>
        %dma_start3A_59 = tpu.memref_squeeze %dma_start3A_58 : memref<1x520x64xf32, #tpu.memory_space<hbm>> -> memref<520x64xf32, #tpu.memory_space<hbm>>
        %dma_start3A_60 = arith.constant 0 : i32
        %dma_start3A_61 = tpu.memref_slice %arg15[%mul3A_0, %dma_start3A_60] : memref<10112x64xf32, #tpu.memory_space<vmem_shared>> -> memref<520x64xf32, #tpu.memory_space<vmem_shared>>
        tpu.enqueue_dma source(%dma_start3A_61 : memref<520x64xf32, #tpu.memory_space<vmem_shared>>) target(%dma_start3A_59 : memref<520x64xf32, #tpu.memory_space<hbm>>) target_semaphore(%run_scoped3A : memref<!tpu.dma_semaphore, #tpu.memory_space<semaphore_mem>>)
        %dma_wait3A_62 = arith.constant 0 : i32
        %dma_wait3A_63 = tpu.memref_slice %arg8[%arg0, %mul3A_0, %dma_wait3A_62] : memref<2x10000x64xf32, #tpu.memory_space<hbm>> -> memref<1x520x64xf32, #tpu.memory_space<hbm>>
        %dma_wait3A_64 = tpu.memref_squeeze %dma_wait3A_63 : memref<1x520x64xf32, #tpu.memory_space<hbm>> -> memref<520x64xf32, #tpu.memory_space<hbm>>
        %dma_wait3A_65 = arith.constant 0 : i32
        %dma_wait3A_66 = tpu.memref_slice %arg15[%mul3A_0, %dma_wait3A_65] : memref<10112x64xf32, #tpu.memory_space<vmem_shared>> -> memref<520x64xf32, #tpu.memory_space<vmem_shared>>
        tpu.wait_dma2 semaphore(%run_scoped3A : memref<!tpu.dma_semaphore, #tpu.memory_space<semaphore_mem>>) src(%dma_wait3A_66 : memref<520x64xf32, #tpu.memory_space<vmem_shared>>) dst(%dma_wait3A_64 : memref<520x64xf32, #tpu.memory_space<hbm>>)
        tpu.yield
      }) : () -> ()
      "tpu.region"() ({
        %run_scoped3A = tpu.sem_alloc : memref<!tpu.dma_semaphore, #tpu.memory_space<semaphore_mem>>
        %dma_start3A_57 = arith.constant 0 : i32
        %dma_start3A_58 = tpu.memref_slice %arg9[%arg0, %mul3A_0, %dma_start3A_57] : memref<2x10000x8xf32, #tpu.memory_space<hbm>> -> memref<1x520x8xf32, #tpu.memory_space<hbm>>
        %dma_start3A_59 = tpu.memref_squeeze %dma_start3A_58 : memref<1x520x8xf32, #tpu.memory_space<hbm>> -> memref<520x8xf32, #tpu.memory_space<hbm>>
        %dma_start3A_60 = arith.constant 0 : i32
        %dma_start3A_61 = tpu.memref_slice %arg16[%mul3A_0, %dma_start3A_60] : memref<10112x8xf32, #tpu.memory_space<vmem_shared>> -> memref<520x8xf32, #tpu.memory_space<vmem_shared>>
        tpu.enqueue_dma source(%dma_start3A_61 : memref<520x8xf32, #tpu.memory_space<vmem_shared>>) target(%dma_start3A_59 : memref<520x8xf32, #tpu.memory_space<hbm>>) target_semaphore(%run_scoped3A : memref<!tpu.dma_semaphore, #tpu.memory_space<semaphore_mem>>)
        %dma_wait3A_62 = arith.constant 0 : i32
        %dma_wait3A_63 = tpu.memref_slice %arg9[%arg0, %mul3A_0, %dma_wait3A_62] : memref<2x10000x8xf32, #tpu.memory_space<hbm>> -> memref<1x520x8xf32, #tpu.memory_space<hbm>>
        %dma_wait3A_64 = tpu.memref_squeeze %dma_wait3A_63 : memref<1x520x8xf32, #tpu.memory_space<hbm>> -> memref<520x8xf32, #tpu.memory_space<hbm>>
        %dma_wait3A_65 = arith.constant 0 : i32
        %dma_wait3A_66 = tpu.memref_slice %arg16[%mul3A_0, %dma_wait3A_65] : memref<10112x8xf32, #tpu.memory_space<vmem_shared>> -> memref<520x8xf32, #tpu.memory_space<vmem_shared>>
        tpu.wait_dma2 semaphore(%run_scoped3A : memref<!tpu.dma_semaphore, #tpu.memory_space<semaphore_mem>>) src(%dma_wait3A_66 : memref<520x8xf32, #tpu.memory_space<vmem_shared>>) dst(%dma_wait3A_64 : memref<520x8xf32, #tpu.memory_space<hbm>>)
        tpu.yield
      }) : () -> ()
    } else {
    }
    return
  }
}

module attributes {stable_mosaic.version = 14 : i64} {
  func.func @_tc_mid_body(%arg0: i32, %arg1: memref<2000x128xf32, #tpu.memory_space<vmem>>, %arg2: memref<2x2000x64xf32, #tpu.memory_space<vmem>>, %arg3: memref<2x2000x8xf32, #tpu.memory_space<vmem>>, %arg4: memref<128x128xf32, #tpu.memory_space<vmem>>, %arg5: memref<128x128xf32, #tpu.memory_space<vmem>>, %arg6: memref<1x128xf32, #tpu.memory_space<vmem>>, %arg7: memref<128x1xf32, #tpu.memory_space<vmem>>, %arg8: memref<128x1xf32, #tpu.memory_space<vmem>>, %arg9: memref<1x1xf32, #tpu.memory_space<vmem>>, %arg10: memref<2000x16xf32, #tpu.memory_space<vmem>>) attributes {dimension_semantics = [#tpu.dimension_semantics<arbitrary>], iteration_bounds = array<i64: 5>, scalar_prefetch = 0 : i64, scratch_operands = 0 : i64, tpu.core_type = #tpu.core_type<tc>, window_params = [{transform_indices = @transform_0, window_bounds = array<i64: 2000, 128>}, {transform_indices = @transform_1, window_bounds = array<i64: 2, 2000, 64>}, {transform_indices = @transform_2, window_bounds = array<i64: 2, 2000, 8>}, {pipeline_mode = #tpu.pipeline_mode<synchronous>, transform_indices = @transform_3, window_bounds = array<i64: 128, 128>}, {pipeline_mode = #tpu.pipeline_mode<synchronous>, transform_indices = @transform_4, window_bounds = array<i64: 128, 128>}, {pipeline_mode = #tpu.pipeline_mode<synchronous>, transform_indices = @transform_5, window_bounds = array<i64: 1, 128>}, {pipeline_mode = #tpu.pipeline_mode<synchronous>, transform_indices = @transform_6, window_bounds = array<i64: 128, 1>}, {pipeline_mode = #tpu.pipeline_mode<synchronous>, transform_indices = @transform_7, window_bounds = array<i64: 128, 1>}, {pipeline_mode = #tpu.pipeline_mode<synchronous>, transform_indices = @transform_8, window_bounds = array<i64: 1, 1>}, {transform_indices = @transform_9, window_bounds = array<i64: 2000, 16>}]} {
    %get3A = arith.constant 0 : index
    %get3A_0 = arith.constant 0 : index
    %get3A_1 = arith.constant 0 : index
    %get3A_2 = vector.load %arg3[%get3A, %get3A_0, %get3A_1] : memref<2x2000x8xf32, #tpu.memory_space<vmem>>, vector<1x2000x1xf32>
    %get3A_3 = vector.shape_cast %get3A_2 : vector<1x2000x1xf32> to vector<2000xf32>
    %get3A_4 = arith.constant 1 : index
    %get3A_5 = arith.constant 0 : index
    %get3A_6 = arith.constant 0 : index
    %get3A_7 = vector.load %arg3[%get3A_4, %get3A_5, %get3A_6] : memref<2x2000x8xf32, #tpu.memory_space<vmem>>, vector<1x2000x1xf32>
    %get3A_8 = vector.shape_cast %get3A_7 : vector<1x2000x1xf32> to vector<2000xf32>
    %add3A = arith.addf %get3A_3, %get3A_8 : vector<2000xf32>
    %max3A = arith.constant 1.000000e+00 : f32
    %max3A_9 = vector.broadcast %max3A : f32 to vector<2000xf32>
    %max3A_10 = arith.maximumf %add3A, %max3A_9 : vector<2000xf32>
    %div3A = arith.constant 1.000000e+00 : f32
    %div3A_11 = vector.broadcast %div3A : f32 to vector<2000xf32>
    %div3A_12 = arith.divf %div3A_11, %max3A_10 : vector<2000xf32>
    %get3A_13 = arith.constant 0 : index
    %get3A_14 = arith.constant 0 : index
    %get3A_15 = arith.constant 0 : index
    %get3A_16 = vector.load %arg2[%get3A_13, %get3A_14, %get3A_15] : memref<2x2000x64xf32, #tpu.memory_space<vmem>>, vector<1x2000x64xf32>
    %get3A_17 = vector.shape_cast %get3A_16 : vector<1x2000x64xf32> to vector<2000x64xf32>
    %broadcast_in_dim3A = vector.shape_cast %div3A_12 : vector<2000xf32> to vector<2000x1xf32>
    %mul3A = vector.broadcast %broadcast_in_dim3A : vector<2000x1xf32> to vector<2000x64xf32>
    %mul3A_18 = arith.mulf %get3A_17, %mul3A : vector<2000x64xf32>
    %get3A_19 = arith.constant 1 : index
    %get3A_20 = arith.constant 0 : index
    %get3A_21 = arith.constant 0 : index
    %get3A_22 = vector.load %arg2[%get3A_19, %get3A_20, %get3A_21] : memref<2x2000x64xf32, #tpu.memory_space<vmem>>, vector<1x2000x64xf32>
    %get3A_23 = vector.shape_cast %get3A_22 : vector<1x2000x64xf32> to vector<2000x64xf32>
    %broadcast_in_dim3A_24 = vector.shape_cast %div3A_12 : vector<2000xf32> to vector<2000x1xf32>
    %mul3A_25 = vector.broadcast %broadcast_in_dim3A_24 : vector<2000x1xf32> to vector<2000x64xf32>
    %mul3A_26 = arith.mulf %get3A_23, %mul3A_25 : vector<2000x64xf32>
    %get3A_27 = arith.constant 0 : index
    %get3A_28 = arith.constant 0 : index
    %get3A_29 = vector.load %arg4[%get3A_27, %get3A_28] : memref<128x128xf32, #tpu.memory_space<vmem>>, vector<64x128xf32>
    %dot_general3A = arith.constant dense<0.000000e+00> : vector<2000x128xf32>
    %dot_general3A_30 = tpu.matmul %mul3A_18, %get3A_29, %dot_general3A {dimension_numbers = #tpu.dot_dimension_numbers<[1], [0], [0], [1], [0, 0, 1, 1], [], []>, transpose_lhs_hint = false} : vector<2000x64xf32>, vector<64x128xf32>, vector<2000x128xf32> -> vector<2000x128xf32>
    %get3A_31 = arith.constant 64 : index
    %get3A_32 = arith.constant 0 : index
    %get3A_33 = vector.load %arg4[%get3A_31, %get3A_32] : memref<128x128xf32, #tpu.memory_space<vmem>>, vector<64x128xf32>
    %dot_general3A_34 = arith.constant dense<0.000000e+00> : vector<2000x128xf32>
    %dot_general3A_35 = tpu.matmul %mul3A_26, %get3A_33, %dot_general3A_34 {dimension_numbers = #tpu.dot_dimension_numbers<[1], [0], [0], [1], [0, 0, 1, 1], [], []>, transpose_lhs_hint = false} : vector<2000x64xf32>, vector<64x128xf32>, vector<2000x128xf32> -> vector<2000x128xf32>
    %add3A_36 = arith.addf %dot_general3A_30, %dot_general3A_35 : vector<2000x128xf32>
    %get3A_37 = arith.constant 0 : index
    %get3A_38 = arith.constant 0 : index
    %get3A_39 = vector.load %arg1[%get3A_37, %get3A_38] : memref<2000x128xf32, #tpu.memory_space<vmem>>, vector<2000x128xf32>
    %get3A_40 = arith.constant 0 : index
    %get3A_41 = arith.constant 0 : index
    %get3A_42 = vector.load %arg5[%get3A_40, %get3A_41] : memref<128x128xf32, #tpu.memory_space<vmem>>, vector<128x128xf32>
    %dot_general3A_43 = arith.constant dense<0.000000e+00> : vector<2000x128xf32>
    %dot_general3A_44 = tpu.matmul %get3A_39, %get3A_42, %dot_general3A_43 {dimension_numbers = #tpu.dot_dimension_numbers<[1], [0], [0], [1], [0, 0, 1, 1], [], []>, transpose_lhs_hint = false} : vector<2000x128xf32>, vector<128x128xf32>, vector<2000x128xf32> -> vector<2000x128xf32>
    %add3A_45 = arith.addf %add3A_36, %dot_general3A_44 : vector<2000x128xf32>
    %get3A_46 = arith.constant 0 : index
    %get3A_47 = arith.constant 0 : index
    %get3A_48 = vector.load %arg6[%get3A_46, %get3A_47] : memref<1x128xf32, #tpu.memory_space<vmem>>, vector<1x128xf32>
    %add3A_49 = vector.broadcast %get3A_48 : vector<1x128xf32> to vector<2000x128xf32>
    %add3A_50 = arith.addf %add3A_45, %add3A_49 : vector<2000x128xf32>
    %max3A_51 = arith.constant 0.000000e+00 : f32
    %max3A_52 = vector.broadcast %max3A_51 : f32 to vector<2000x128xf32>
    %max3A_53 = arith.maximumf %add3A_50, %max3A_52 : vector<2000x128xf32>
    %get3A_54 = arith.constant 0 : index
    %get3A_55 = arith.constant 0 : index
    %get3A_56 = vector.load %arg7[%get3A_54, %get3A_55] : memref<128x1xf32, #tpu.memory_space<vmem>>, vector<128x1xf32>
    %dot_general3A_57 = arith.constant dense<0.000000e+00> : vector<2000x1xf32>
    %dot_general3A_58 = tpu.matmul %max3A_53, %get3A_56, %dot_general3A_57 {dimension_numbers = #tpu.dot_dimension_numbers<[1], [0], [0], [1], [0, 0, 1, 1], [], []>, transpose_lhs_hint = false} : vector<2000x128xf32>, vector<128x1xf32>, vector<2000x1xf32> -> vector<2000x1xf32>
    %get3A_59 = arith.constant 0 : index
    %get3A_60 = arith.constant 0 : index
    %get3A_61 = vector.load %arg8[%get3A_59, %get3A_60] : memref<128x1xf32, #tpu.memory_space<vmem>>, vector<128x1xf32>
    %dot_general3A_62 = arith.constant dense<0.000000e+00> : vector<2000x1xf32>
    %dot_general3A_63 = tpu.matmul %max3A_53, %get3A_61, %dot_general3A_62 {dimension_numbers = #tpu.dot_dimension_numbers<[1], [0], [0], [1], [0, 0, 1, 1], [], []>, transpose_lhs_hint = false} : vector<2000x128xf32>, vector<128x1xf32>, vector<2000x1xf32> -> vector<2000x1xf32>
    %get3A_64 = arith.constant 0 : index
    %get3A_65 = arith.constant 0 : index
    %get3A_66 = vector.load %arg9[%get3A_64, %get3A_65] : memref<1x1xf32, #tpu.memory_space<vmem>>, vector<1x1xf32>
    %get3A_67 = vector.extract %get3A_66[0, 0] : f32 from vector<1x1xf32>
    %add3A_68 = vector.broadcast %get3A_67 : f32 to vector<2000x1xf32>
    %add3A_69 = arith.addf %dot_general3A_63, %add3A_68 : vector<2000x1xf32>
    %iota3A = tpu.iota {dimensions = array<i32: 1>} : vector<2000x16xi32>
    %eq3A = arith.constant 0 : i32
    %eq3A_70 = vector.broadcast %eq3A : i32 to vector<2000x16xi32>
    %eq3A_71 = arith.cmpi eq, %iota3A, %eq3A_70 : vector<2000x16xi32>
    %jit3A = arith.constant 0.000000e+00 : f32
    %broadcast_in_dim3A_72 = vector.shape_cast %dot_general3A_58 : vector<2000x1xf32> to vector<2000x1xf32>
    %broadcast_in_dim3A_73 = vector.broadcast %broadcast_in_dim3A_72 : vector<2000x1xf32> to vector<2000x16xf32>
    %broadcast_in_dim3A_74 = vector.broadcast %jit3A : f32 to vector<2000x16xf32>
    %select_n3A = arith.select %eq3A_71, %broadcast_in_dim3A_73, %broadcast_in_dim3A_74 : vector<2000x16xi1>, vector<2000x16xf32>
    %eq3A_75 = arith.constant 1 : i32
    %eq3A_76 = vector.broadcast %eq3A_75 : i32 to vector<2000x16xi32>
    %eq3A_77 = arith.cmpi eq, %iota3A, %eq3A_76 : vector<2000x16xi32>
    %jit3A_78 = arith.constant 0.000000e+00 : f32
    %broadcast_in_dim3A_79 = vector.shape_cast %add3A_69 : vector<2000x1xf32> to vector<2000x1xf32>
    %broadcast_in_dim3A_80 = vector.broadcast %broadcast_in_dim3A_79 : vector<2000x1xf32> to vector<2000x16xf32>
    %broadcast_in_dim3A_81 = vector.broadcast %jit3A_78 : f32 to vector<2000x16xf32>
    %select_n3A_82 = arith.select %eq3A_77, %broadcast_in_dim3A_80, %broadcast_in_dim3A_81 : vector<2000x16xi1>, vector<2000x16xf32>
    %add3A_83 = arith.addf %select_n3A, %select_n3A_82 : vector<2000x16xf32>
    %swap3A = arith.constant 0 : index
    %swap3A_84 = arith.constant 0 : index
    %swap3A_85 = vector.load %arg10[%swap3A, %swap3A_84] : memref<2000x16xf32, #tpu.memory_space<vmem>>, vector<2000x16xf32>
    tpu.vector_store %arg10[%swap3A, %swap3A_84], %add3A_83 {strides = array<i32>} : memref<2000x16xf32, #tpu.memory_space<vmem>>, vector<2000x16xf32>,
    return
  }
  func.func @transform_0(%arg0: i32) -> (i32, i32) {
    %c0_i32 = arith.constant 0 : i32
    %c0_i32_0 = arith.constant 0 : i32
    return %arg0, %c0_i32 : i32, i32
  }
  func.func @transform_1(%arg0: i32) -> (i32, i32, i32) {
    %c0_i32 = arith.constant 0 : i32
    %c0_i32_0 = arith.constant 0 : i32
    %c0_i32_1 = arith.constant 0 : i32
    return %c0_i32, %arg0, %c0_i32_0 : i32, i32, i32
  }
  func.func @transform_2(%arg0: i32) -> (i32, i32, i32) {
    %c0_i32 = arith.constant 0 : i32
    %c0_i32_0 = arith.constant 0 : i32
    %c0_i32_1 = arith.constant 0 : i32
    return %c0_i32, %arg0, %c0_i32_0 : i32, i32, i32
  }
  func.func @transform_3(%arg0: i32) -> (i32, i32) {
    %c0_i32 = arith.constant 0 : i32
    %c0_i32_0 = arith.constant 0 : i32
    %c0_i32_1 = arith.constant 0 : i32
    return %c0_i32, %c0_i32_0 : i32, i32
  }
  func.func @transform_4(%arg0: i32) -> (i32, i32) {
    %c0_i32 = arith.constant 0 : i32
    %c0_i32_0 = arith.constant 0 : i32
    %c0_i32_1 = arith.constant 0 : i32
    return %c0_i32, %c0_i32_0 : i32, i32
  }
  func.func @transform_5(%arg0: i32) -> (i32, i32) {
    %c0_i32 = arith.constant 0 : i32
    %c0_i32_0 = arith.constant 0 : i32
    %c0_i32_1 = arith.constant 0 : i32
    return %c0_i32, %c0_i32_0 : i32, i32
  }
  func.func @transform_6(%arg0: i32) -> (i32, i32) {
    %c0_i32 = arith.constant 0 : i32
    %c0_i32_0 = arith.constant 0 : i32
    %c0_i32_1 = arith.constant 0 : i32
    return %c0_i32, %c0_i32_0 : i32, i32
  }
  func.func @transform_7(%arg0: i32) -> (i32, i32) {
    %c0_i32 = arith.constant 0 : i32
    %c0_i32_0 = arith.constant 0 : i32
    %c0_i32_1 = arith.constant 0 : i32
    return %c0_i32, %c0_i32_0 : i32, i32
  }
  func.func @transform_8(%arg0: i32) -> (i32, i32) {
    %c0_i32 = arith.constant 0 : i32
    %c0_i32_0 = arith.constant 0 : i32
    %c0_i32_1 = arith.constant 0 : i32
    return %c0_i32, %c0_i32_0 : i32, i32
  }
  func.func @transform_9(%arg0: i32) -> (i32, i32) {
    %c0_i32 = arith.constant 0 : i32
    %c0_i32_0 = arith.constant 0 : i32
    return %arg0, %c0_i32 : i32, i32
  }
}

module attributes {stable_mosaic.version = 14 : i64} {
  func.func @_tc_fin_body(%arg0: i32, %arg1: memref<2x2000x16xf32, #tpu.memory_space<vmem>>, %arg2: memref<2x2000x8xf32, #tpu.memory_space<vmem>>, %arg3: memref<2000x16xf32, #tpu.memory_space<vmem>>, %arg4: memref<2000x1xf32, #tpu.memory_space<vmem>>) attributes {dimension_semantics = [#tpu.dimension_semantics<arbitrary>], iteration_bounds = array<i64: 5>, scalar_prefetch = 0 : i64, scratch_operands = 0 : i64, tpu.core_type = #tpu.core_type<tc>, window_params = [{transform_indices = @transform_0, window_bounds = array<i64: 2, 2000, 16>}, {transform_indices = @transform_1, window_bounds = array<i64: 2, 2000, 8>}, {transform_indices = @transform_2, window_bounds = array<i64: 2000, 16>}, {transform_indices = @transform_3, window_bounds = array<i64: 2000, 1>}]} {
    %get3A = arith.constant 0 : index
    %get3A_0 = arith.constant 0 : index
    %get3A_1 = arith.constant 0 : index
    %get3A_2 = vector.load %arg1[%get3A, %get3A_0, %get3A_1] : memref<2x2000x16xf32, #tpu.memory_space<vmem>>, vector<1x2000x1xf32>
    %get3A_3 = vector.shape_cast %get3A_2 : vector<1x2000x1xf32> to vector<2000xf32>
    %get3A_4 = arith.constant 1 : index
    %get3A_5 = arith.constant 0 : index
    %get3A_6 = arith.constant 0 : index
    %get3A_7 = vector.load %arg1[%get3A_4, %get3A_5, %get3A_6] : memref<2x2000x16xf32, #tpu.memory_space<vmem>>, vector<1x2000x1xf32>
    %get3A_8 = vector.shape_cast %get3A_7 : vector<1x2000x1xf32> to vector<2000xf32>
    %add3A = arith.addf %get3A_3, %get3A_8 : vector<2000xf32>
    %get3A_9 = arith.constant 0 : index
    %get3A_10 = arith.constant 0 : index
    %get3A_11 = arith.constant 0 : index
    %get3A_12 = vector.load %arg2[%get3A_9, %get3A_10, %get3A_11] : memref<2x2000x8xf32, #tpu.memory_space<vmem>>, vector<1x2000x1xf32>
    %get3A_13 = vector.shape_cast %get3A_12 : vector<1x2000x1xf32> to vector<2000xf32>
    %get3A_14 = arith.constant 1 : index
    %get3A_15 = arith.constant 0 : index
    %get3A_16 = arith.constant 0 : index
    %get3A_17 = vector.load %arg2[%get3A_14, %get3A_15, %get3A_16] : memref<2x2000x8xf32, #tpu.memory_space<vmem>>, vector<1x2000x1xf32>
    %get3A_18 = vector.shape_cast %get3A_17 : vector<1x2000x1xf32> to vector<2000xf32>
    %add3A_19 = arith.addf %get3A_13, %get3A_18 : vector<2000xf32>
    %max3A = arith.constant 1.000000e+00 : f32
    %max3A_20 = vector.broadcast %max3A : f32 to vector<2000xf32>
    %max3A_21 = arith.maximumf %add3A_19, %max3A_20 : vector<2000xf32>
    %div3A = arith.divf %add3A, %max3A_21 : vector<2000xf32>
    %get3A_22 = arith.constant 0 : index
    %get3A_23 = arith.constant 1 : index
    %get3A_24 = vector.load %arg3[%get3A_22, %get3A_23] : memref<2000x16xf32, #tpu.memory_space<vmem>>, vector<2000x1xf32>
    %get3A_25 = vector.shape_cast %get3A_24 : vector<2000x1xf32> to vector<2000xf32>
    %add3A_26 = arith.addf %div3A, %get3A_25 : vector<2000xf32>
    %max3A_27 = arith.constant 0.000000e+00 : f32
    %max3A_28 = vector.broadcast %max3A_27 : f32 to vector<2000xf32>
    %max3A_29 = arith.maximumf %add3A_26, %max3A_28 : vector<2000xf32>
    %broadcast_in_dim3A = vector.shape_cast %max3A_29 : vector<2000xf32> to vector<2000x1xf32>
    %swap3A = arith.constant 0 : index
    %swap3A_30 = arith.constant 0 : index
    %swap3A_31 = vector.load %arg4[%swap3A, %swap3A_30] : memref<2000x1xf32, #tpu.memory_space<vmem>>, vector<2000x1xf32>
    tpu.vector_store %arg4[%swap3A, %swap3A_30], %broadcast_in_dim3A {strides = array<i32>} : memref<2000x1xf32, #tpu.memory_space<vmem>>, vector<2000x1xf32>,
    return
  }
  func.func @transform_0(%arg0: i32) -> (i32, i32, i32) {
    %c0_i32 = arith.constant 0 : i32
    %c0_i32_0 = arith.constant 0 : i32
    %c0_i32_1 = arith.constant 0 : i32
    return %c0_i32, %arg0, %c0_i32_0 : i32, i32, i32
  }
  func.func @transform_1(%arg0: i32) -> (i32, i32, i32) {
    %c0_i32 = arith.constant 0 : i32
    %c0_i32_0 = arith.constant 0 : i32
    %c0_i32_1 = arith.constant 0 : i32
    return %c0_i32, %arg0, %c0_i32_0 : i32, i32, i32
  }
  func.func @transform_2(%arg0: i32) -> (i32, i32) {
    %c0_i32 = arith.constant 0 : i32
    %c0_i32_0 = arith.constant 0 : i32
    return %arg0, %c0_i32 : i32, i32
  }
  func.func @transform_3(%arg0: i32) -> (i32, i32) {
    %c0_i32 = arith.constant 0 : i32
    %c0_i32_0 = arith.constant 0 : i32
    return %arg0, %c0_i32 : i32, i32
  }
}

</mosaic_0001>

<sc_bundles>
// kernel: kernel.6.cloned.1.call-start
scs
__scs_entry_jumppad:
0x0: {  	(pc) =	sbr.rel $0x88, $3  }
0x1: {  	(tag) =	ssettag $0x0;
	lr =	simm.s32 $0x1  }
0x2: {  	[smem:$0x3F97] =	sst lr;
	_ =	strace $0xD0000000  }
0x3: {  	_ = 	snop  }
0x4: {  	_ = 	snop  }
0x5: {  	_ = 	snop  }
0x6: {  	_ = 	snop  }
0x7: {  	_ = 	snop  }
__scs_overlays_trampoline_lowered:
0x8: {  	[smem:$0x3FA6] =	sst s0  }
0x9: {  	[smem:$0x3FA7] =	sst s1  }
0xa: {  	[smem:$0x3FA8] =	sst s2  }
0xb: {  	[smem:$0x3FA9] =	sst s3  }
0xc: {  	[smem:$0x3FAA] =	sst s4  }
0xd: {  	[smem:$0x3FAB] =	sst s5  }
0xe: {  	[smem:$0x3FAC] =	sst s6  }
0xf: {  	[smem:$0x3FAD] =	sst s7  }
0x10: {  	[smem:$0x3FAE] =	sst s8  }
0x11: {  	[smem:$0x3FAF] =	sst s9;
	s0 =	simm.s32 @!p0 $0x0  }
0x12: {  	s1 =	sld [smem:$0x3F95];
	s0 =	simm.s32 @p0 $0x1  }
0x13: {  	[smem:$0x3FB0] =	sst s0;
	s0 =	simm.s32 @!p1 $0x0  }
0x14: {  	s2 =	sld [smem:$0x3F94];
	s0 =	simm.s32 @p1 $0x1  }
0x15: {  	[smem:$0x3FB1] =	sst s0;
	s0 =	simm.s32 @!p2 $0x0  }
0x16: {  	s3 =	sld [smem:$0x3FDB];
	s0 =	simm.s32 @p2 $0x1  }
0x17: {  	s4 =	simm.s32 $0x1BF5;
	[smem:$0x3FB3] =	sst s0  }
0x18: {  	s0 =	sld [smem:$0x3F96];
	_ =	swait.ge [sflag:s4], $0x0  }
0x19: {  	s7 =	sld [smem:$0x3F97]  }
0x1a: {  	s8 =	sadd.s32 $0xFFFFE003, lr  }
0x1b: {  	s9 =	sadd.s32 $0xFFFFFEF7, lr;
	s5 =	simm.s32 $0xFFFFFFFF;
	p2 =	slt.u32 s8, $0xFFFFF086  }
0x1c: {  	p1 =	slt.u32 s9, $0xF7A;
	s5 =	simm.s32 @!p2 $0x0  }
0x1d: {  	s5 =	simm.s32 @p1 $0x1;
	p0 =	seq.s32 s7, s2  }
0x1e: {  	s7 =	smul.u32 @!p0 $0xF7A, s2;
	p2 =	seq.s32 @!p0 s5, $0x0  }
0x1f: {  	s9 =	smul.u32 $0xF7A, s1;
	s8 =	simm.s32 @!p0 $0x1BF5;
	p2 =	por !p2, p0  }
0x20: {  	[sflag:s8] =	ssyncset.s32 @!p0 $0xFFFFF086;
	s6 =	sadd.s32 @!p0 s3, s7;
	s7 =	simm.s32 @!p0 $0x108  }
0x21: {  	s3 =	sadd.s32 s3, s9;
	s6 =	sadd.s32 @!p0 $0x88, s6;
	s7 =	simm.s32 @p2 $0x1082  }
0x22: {  	[simem:s7], [sflag:s8] =	dma.local @!p0 [hbm:s6], $0xF7A  }
0x23: {  	s9 =	sor.u32 $0xD0000000, s2;
	s6 =	simm.s32 $0x108;
	_ =	swait.ge @!p0 [sflag:s8], $0x0  }
0x24: {  	s3 =	sadd.s32 $0x88, s3;
	s6 =	simm.s32 @!p1 $0x1082;
	[sflag:s4] =	ssyncset.s32 $0xFFFFF086  }
0x25: {  	[simem:s6], [sflag:s4] =	dma.local [hbm:s3], $0xF7A  }
0x26: {  	[smem:$0x3F97] =	sst s1;
	(tag) =	ssettag s2;
	_ =	strace s9  }
0x27: {  	s1 =	sld [smem:$0x3FA7]  }
0x28: {  	s2 =	sld [smem:$0x3FA8]  }
0x29: {  	s4 =	sld [smem:$0x3FAA]  }
0x2a: {  	p0 =	seq.s32 s5, $0x0;
	s5 =	sld [smem:$0x3FAB]  }
0x2b: {  	s6 =	sld [smem:$0x3FAC]  }
0x2c: {  	s7 =	sld [smem:$0x3FAD]  }
0x2d: {  	s3 =	simm.s32 $0x108;
	s8 =	sld [smem:$0x3FAE]  }
0x2e: {  	s3 =	simm.s32 @!p0 $0x1082;
	s9 =	sld [smem:$0x3FAF]  }
0x2f: {  	lr =	sadd.s32 s0, s3;
	s0 =	sld [smem:$0x3FA6]  }
0x30: {  	s3 =	sld [smem:$0x3FA9]  }
0x31: {  	[smem:$0x3FB2] =	sst s10  }
0x32: {  	s10 =	sld [smem:$0x3FB0];
	_ =	sdelay $0x3  }
0x33: {  	p0 =	seq.s32 s10, $0x1;
	s10 =	sld [smem:$0x3FB2];
	_ =	sdelay $0x3  }
0x34: {  	[smem:$0x3FB2] =	sst s10  }
0x35: {  	s10 =	sld [smem:$0x3FB1];
	_ =	sdelay $0x3  }
0x36: {  	p1 =	seq.s32 s10, $0x1;
	s10 =	sld [smem:$0x3FB2];
	_ =	sdelay $0x3  }
0x37: {  	[smem:$0x3FB2] =	sst s10  }
0x38: {  	s10 =	sld [smem:$0x3FB3]  }
0x39: {  	_ = 	snop;
	(pc) =	sbr.ind lr, $3  }
0x3a: {  	_ = 	snop  }
0x3b: {  	_ = 	snop  }
0x3c: {  	p2 =	seq.s32 s10, $0x1;
	s10 =	sld [smem:$0x3FB2]  }
0x3d: {  	_ =	shalt  }
0x3e: {  	_ =	shalt  }
0x3f: {  	_ =	shalt  }
0x40: {  	_ =	shalt  }
0x41: {  	_ =	shalt  }
0x42: {  	_ =	shalt  }
0x43: {  	_ =	shalt  }
0x44: {  	_ =	shalt  }
0x45: {  	_ =	shalt  }
0x46: {  	_ =	shalt  }
0x47: {  	_ =	shalt  }
0x48: {  	_ =	shalt  }
0x49: {  	_ =	shalt  }
0x4a: {  	_ =	shalt  }
0x4b: {  	_ =	shalt  }
0x4c: {  	_ =	shalt  }
0x4d: {  	_ =	shalt  }
0x4e: {  	_ =	shalt  }
0x4f: {  	_ =	shalt  }
0x50: {  	_ =	shalt  }
0x51: {  	_ =	shalt  }
0x52: {  	_ =	shalt  }
0x53: {  	_ =	shalt  }
0x54: {  	_ =	shalt  }
0x55: {  	_ =	shalt  }
0x56: {  	_ =	shalt  }
0x57: {  	_ =	shalt  }
0x58: {  	_ =	shalt  }
0x59: {  	_ =	shalt  }
0x5a: {  	_ =	shalt  }
0x5b: {  	_ =	shalt  }
0x5c: {  	_ =	shalt  }
0x5d: {  	_ =	shalt  }
0x5e: {  	_ =	shalt  }
0x5f: {  	_ =	shalt  }
0x60: {  	_ =	shalt  }
0x61: {  	_ =	shalt  }
0x62: {  	_ =	shalt  }
0x63: {  	_ =	shalt  }
0x64: {  	_ =	shalt  }
0x65: {  	_ =	shalt  }
0x66: {  	_ =	shalt  }
0x67: {  	_ =	shalt  }
0x68: {  	_ =	shalt  }
0x69: {  	_ =	shalt  }
0x6a: {  	_ =	shalt  }
0x6b: {  	_ =	shalt  }
0x6c: {  	_ =	shalt  }
0x6d: {  	_ =	shalt  }
0x6e: {  	_ =	shalt  }
0x6f: {  	_ =	shalt  }
0x70: {  	_ =	shalt  }
0x71: {  	_ =	shalt  }
0x72: {  	_ =	shalt  }
0x73: {  	_ =	shalt  }
0x74: {  	_ =	shalt  }
0x75: {  	_ =	shalt  }
0x76: {  	_ =	shalt  }
0x77: {  	_ =	shalt  }
0x78: {  	_ =	shalt  }
0x79: {  	_ =	shalt  }
0x7a: {  	_ =	shalt  }
0x7b: {  	_ =	shalt  }
0x7c: {  	_ =	shalt  }
0x7d: {  	_ =	shalt  }
0x7e: {  	_ =	shalt  }
0x7f: {  	_ =	shalt  }
0x80: {  	_ =	shalt  }
0x81: {  	_ =	shalt  }
0x82: {  	_ =	shalt  }
0x83: {  	_ =	shalt  }
0x84: {  	_ =	shalt  }
0x85: {  	_ =	shalt  }
0x86: {  	_ =	shalt  }
0x87: {  	_ =	shalt  }
.Lfunc_end0:
.L_simem_size_0:
called_computation_lowered:
.L_overlay_start_0:
0x88: {  	s2 =	sld [smem:$0x3FD9]  }
0x89: {  	s3 =	sld [smem:$0x3FFE];
	_ =	sdelay $0x1  }
0x8a: {  	s1 =	srdreg.scid  }
0x8b: {  	s0 =	sand.u32 $0x1, s1  }
0x8c: {  	s17 =	sshll.u32 s0, $0xA;
	s2 =	sadd.s32 s3, s2  }
0x8d: {  	s2 =	sadd.s32 s2, s17  }
0x8e: {  	[smem:$0x3FBE] =	sst s2  }
0x8f: {  	_ = 	snop  }
0x90: {  	s2 =	sld [smem:$0x3FD0];
	(tm) =	ssettm $0x1  }
0x91: {  	s18 =	sld [smem:$0x3FFB];
	_ =	sdelay $0x3  }
0x92: {  	_ =	strace s18  }
0x93: {  	s3 =	sld [smem:$0x3FFC];
	_ =	sdelay $0x3  }
0x94: {  	_ =	strace s3  }
0x95: {  	s3 =	sld [smem:$0x3FFD];
	_ =	sdelay $0x3  }
0x96: {  	_ =	strace s3  }
0x97: {  	_ =	strace $0x8FFFFFFF  }
0x98: {  	s19 =	sld [smem:$0x3FDB];
	_ =	sdelay $0x1  }
0x99: {  	s4 =	simm.s32 $_scs_section_size  }
0x9a: {  	s5 =	simm.s32 $_size__tile_overlayer_lowered;
	s6 =	simm.s32 $_tile_overlayer_lowered  }
0x9b: {  	s22 =	simm.s32 $0x1BFF;
	s21 =	sshll.u32 s6, $0x1;
	s3 =	sadd.s32 s4, s19  }
0x9c: {  	s7 =	simm.s32 $0x0;
	s20 =	sshll.u32 s5, $0x1;
	s5 =	sadd.s32 s21, s3  }
0x9d: {  	[timem:s7], [sflag:s22] =	dma.local [hbm:s5], s20  }
0x9e: {  	_ =	swait.ge [sflag:s22], s20  }
0x9f: {  	s4 =	ssub.s32 $0x0, s20;
	[sflag:s22] =	ssyncset.done $0x0  }
0xa0: {  	[sflag:s22] =	ssyncadd.s32 s4;
	_ =	sdelay $0x1  }
0xa1: {  	s23 =	simm.s32 $0x1B8B  }
0xa2: {  	_ =	swait.ge [sflag:s23], $0x1  }
0xa3: {  	[sflag:s23] =	ssyncset.done $0x0  }
0xa4: {  	s25 =	simm.s32 $0x1B8E;
	s24 =	sld [smem:$0x3FFE];
	[sflag:s23] =	ssyncadd.s32 $0xFFFFFFFF  }
0xa5: {  	s26 =	simm.s32 $execute0_lowered;
	[smem:$0x3FD2] =	sst s25  }
0xa6: {  	s5 =	sshll.u32 s26, $0x1;
	_ =	strace $0x80000046;
	[dreg:$0x1] =	wrdreg $0xFFFFFFFF  }
0xa7: {  	s28 =	simm.s32 $_size_execute0_lowered;
	s3 =	sadd.s32 s3, s5;
	[dreg:$0x0] =	wrdreg $0x0  }
0xa8: {  	s5 =	sshll.u32 s28, $0x1;
	[dreg:$0x2] =	wrdreg s3  }
0xa9: {  	[dreg:$0x3] =	wrdreg s5  }
0xaa: {  	[dreg:$0x4] =	wrdreg $0xC0  }
0xab: {  	_ =	task [dreg:s7], $0x5FFFF  }
0xac: {  	[dreg:$0x1] =	wrdreg $0xFFFFFFFF  }
0xad: {  	[dreg:$0x0] =	wrdreg $0x60  }
0xae: {  	[dreg:$0x2] =	wrdreg s24  }
0xaf: {  	[dreg:$0x3] =	wrdreg s2  }
0xb0: {  	[dreg:$0x4] =	wrdreg $0x104000  }
0xb1: {  	[dreg:$0x5] =	wrdreg $0x1A2000  }
0xb2: {  	[dreg:$0x6] =	wrdreg $0x9  }
0xb3: {  	_ =	task.clear_ibuf [dreg:s7], $0x7FFFF;
	_ =	strace $0x90000046  }
0xb4: {  	s29 =	simm.s32 $0x9;
	_ =	strace $0x80000048  }
0xb5: {  	_ =	swait.ge [sflag:s29], $0x1  }
0xb6: {  	[sflag:s29] =	ssyncadd.s32 $0xFFFFFFFF  }
0xb7: {  	_ =	strace $0x90000048  }
0xb8: {  	_ =	sfence  }
0xb9: {  	s30 =	sld [smem:$0x0];
	_ =	sdelay $0x2  }
0xba: {  	s31 =	sshll.u32 s1, $0xD;
	s1 =	sshrl.u32 s1, $0x2  }
0xbb: {  	s3 =	sand.u32 $0x4000, s31;
	s1 =	sadd.s32 s1, s30  }
0xbc: {  	s0 =	sor.u32 s3, s0;
	s1 =	sshll.u32 s1, $0x11  }
0xbd: {  	s0 =	sor.u32 s1, s0  }
0xbe: {  	s0 =	sadd.s32 $0x8F2B, s0  }
0xbf: {  	[sflag:s0] =	ssyncadd.remote.s32 $0x1  }
0xc0: {  	_ =	sfence.sel $0xFFFF  }
0xc1: {  	[dreg:$0x0] =	wrdreg $0xFFFFFFFF;
	(pc) =	sbr.abs _section_cstart, $3  }
0xc2: {  	[dreg:$0x1] =	wrdreg $0xFFFFFFFF  }
0xc3: {  	_ =	task.clear_ibuf [dreg:s7], $0x2FFFF;
	_ =	strace $0x9FFFFFFF  }
0xc4: {  	(tm) =	ssettm $0x7FFFFFFF  }
0xc5: {  	_ =	shalt  }
tec
execute0_lowered:
.L_overlay_start_1:
0x0: {  	(tag) =	ssettag $0x1  }
0x1: {  	s0 =	rddreg [dreg:$0x0]  }
0x2: {  	s1 =	srdreg.scid;
	s3 =	rddreg [dreg:$0x2]  }
0x3: {  	s22 =	stileid.u32;
	s4 =	rddreg [dreg:$0x3]  }
0x4: {  	s5 =	simm.s32 $0x0;
	s21 =	simm.s32 $0x4;
	s2 =	smul.u32 $0x5000, s22  }
0x5: {  	s28 =	simm.s32 $0x2;
	s29 =	simm.s32 $0x3;
	s14 =	smul.u32 $0x9E00, s22  }
0x6: {  	s30 =	simm.s32 $0x0;
	s1 =	sand.u32 $0x1, s1;
	s18 =	smul.u32 $0x13C0, s22  }
0x7: {  	[smem:$0x7FF] =	sst s5;
	s8 =	sadd.s32 $0x33000, s0;
	s6 =	smul.u32 $0x50000, s1  }
0x8: {  	s17 =	sadd.s32 $0x34600, s0;
	s24 =	sshll.u32 s22, $0x6;
	s19 =	smul.u32 $0x9C400, s1  }
0x9: {  	p0 =	seq.s32 s22, $0xF;
	s9 =	ssub.s32 $0x2, s1;
	s12 =	smul.u32 $0x50, s1  }
0xa: {  	_ =	strace $0x80000047;
	s1 =	smul.u32 $0x13880, s1;
	s10 =	sshrl.u32 s9, $0x1  }
0xb: {  	s11 =	sadd.s32 s18, s4;
	s6 =	sadd.s32 s2, s6;
	s2 =	sshrl.u32 s2, $0x3  }
0xc: {  	s20 =	ssub.s32 s9, s10;
	s9 =	sadd.s32 s14, s3;
	s10 =	sor.u32 $0x1C04, s24  }
0xd: {  	s16 =	sadd.s32 s14, s19;
	s15 =	sadd.s32 $0x50, s12;
	s26 =	sadd.s32 s18, s1  }
0xe: {  	s31 =	sshrl.u32 s19, $0x3;
	s1 =	sshrl.u32 s1, $0x3;
	s24 =	simm.s32 $0x80  }
0xf: {  	s7 =	sshrl.u32 s6, $0x3;
	s6 =	sadd.s32 $0x15600, s0;
	s2 =	sadd.s32 s2, s0  }
0x10: {  	s25 =	sshrl.u32 s16, $0x3;
	s18 =	sadd.s32 s17, s31;
	s20 =	smax.u32 s20, $0x1  }
0x11: {  	s13 =	sadd.s32 s7, s0;
	s7 =	sadd.s32 $0x33200, s0;
	s0 =	sadd.s32 $0x5B800, s0  }
0x12: {  	s14 =	sadd.s32 $0x29000, s2;
	s16 =	sadd.s32 s17, s25;
	s2 =	sshrl.u32 s26, $0x3  }
0x13: {  	s18 =	sadd.s32 $0x12840, s18;
	s17 =	sadd.s32 s0, s2;
	s0 =	sadd.s32 s0, s1  }
0x14: {  	s26 =	simm.s32 $0x1;
	s13 =	sadd.s32 $0x1600, s13;
	s19 =	sadd.s32 $0x2508, s0  }
.LBB2_1:
0x15: {  	s0 =	sshrl.u32 s9, $0x3  }
0x16: {  	[spmem:s0], [sflag:s10] =	dma.local [hbm:s7], $0x13C0  }
0x17: {  	_ =	swait.ge [sflag:s21], $0x13C0  }
0x18: {  	[sflag:s21] =	ssyncset.done $0x0  }
0x19: {  	[sflag:s21] =	ssyncadd.s32 $0xFFFFEC40  }
0x1a: {  	s2 =	sshrl.u32 s11, $0x3;
	s1 =	rddreg [dreg:$0x1]  }
0x1b: {  	[spmem:s2], [sflag:s10] =	dma.local [hbm:s1], $0x278  }
0x1c: {  	_ =	swait.ge [sflag:s21], $0x278  }
0x1d: {  	[sflag:s21] =	ssyncset.done $0x0  }
0x1e: {  	s22 =	simm.s32 $0x10000;
	[sflag:s21] =	ssyncadd.s32 $0xFFFFFD88  }
0x1f: {  	[tilespmem:s22], [sflag:$0x4] =	stream.linear.gather [hbm4b:s8+s5], $0x400, $0x38;
	[tilespmem:$0x1B5C0] =	vst v63  }
0x20: {  	_ =	swait.ge [sflag:s21], $0x400  }
0x21: {  	[sflag:s21] =	ssyncset.done $0x0  }
0x22: {  	[sflag:s21] =	ssyncadd.s32 $0xFFFFFC00  }
0x23: {  	[tilespmem:s5], [sflag:$0x4] =	stream.linear.gather [hbm4b:s13+s5], $0x5000, $0x38;
	[tilespmem:$0x1B5C0] =	vst v63  }
0x24: {  	_ =	swait.ge [sflag:s21], $0x5000  }
0x25: {  	[sflag:s21] =	ssyncset.done $0x0  }
0x26: {  	s23 =	simm.s32 $0x5000;
	[sflag:s21] =	ssyncadd.s32 $0xFFFFB000  }
0x27: {  	[tilespmem:s23], [sflag:$0x4] =	stream.linear.gather [hbm4b:s14+s5], $0x5000, $0x38;
	[tilespmem:$0x1B5C0] =	vst v63  }
0x28: {  	_ =	swait.ge [sflag:s21], $0x5000  }
0x29: {  	[sflag:s21] =	ssyncset.done $0x0  }
0x2a: {  	s25 =	simm.s32 $0xA000;
	[sflag:s21] =	ssyncadd.s32 $0xFFFFB000  }
0x2b: {  	[tilespmem:s25], [sflag:$0x1] =	stream.indirect.gather [hbm4b:s6+s24], $0x20, s5, s24, $0xb8;
	[tilespmem:$0x1B5C0] =	vst v63  }
0x2c: {  	p1 =	por $0x0, $0x0;
	s31 =	simm.s32 $0x0;
	[bflag:$0x0] =	sbarrier.arrive $0xFFFF  }
.LBB2_2:
0x2d: {  	s0 =	sand.u32 $0x1, s31;
	_ =	swait.ge [sflag:s26], $0x1000  }
0x2e: {  	s2 =	sadd.s32 $0x1, s31;
	p2 =	seq.s32 s31, $0x9F;
	[sflag:s26] =	ssyncset.done $0x0  }
0x2f: {  	s1 =	sshll.u32 @!p2 s0, $0xC;
	s22 =	sshll.u32 @!p2 s2, $0x7;
	s23 =	simm.s32 @!p2 $0x80  }
0x30: {  	[sflag:s26] =	ssyncadd.s32 $0xFFFFF000;
	s1 =	sxor.u32 @!p2 $0xB000, s1;
	s22 =	sand.u32 @!p2 $0x3FFFFF80, s22  }
0x31: {  	[tilespmem:s1], [sflag:$0x1] =	stream.indirect.gather @!p2 [hbm4b:s6+s23], $0x20, s22, s23, $0xb8;
	[tilespmem:$0x1B5C0] =	vst v63  }
0x32: {  	s1 =	simm.s32 $0x1  }
0x33: {  	s1 =	simm.s32 @!p1 $0x0  }
0x34: {  	s23 =	sshll.u32 s1, $0xC  }
0x35: {  	s22 =	sor.u32 $0xA000, s23  }
0x36: {  	p3 =	slt.u32 @!p2 s31, $0x2;
	v0 =	vmov s22  }
0x37: {  	p2 =	por p2, !p3  }
0x38: {  	_ =	swait.ge @p2 [sflag:s28], $0x2000  }
0x39: {  	[sflag:s28] =	ssyncset.done @p2 $0x0  }
0x3a: {  	s25 =	simm.s32 $0x0;
	[sflag:s28] =	ssyncadd.s32 @p2 $0xFFFFE000  }
0x3b: {  	v1 =	vld.idx.msk [tilespmem:v0+s25+$0x0 ss:$0x1], $0xffff;
	_ =	sdelay $0x3  }
0x3c: {  	s1 =	sshll.u32 s1, $0xD  }
0x3d: {  	s1 =	sor.u32 $0xC020, s1;
	v2 =	vshll.u32 v1, $0x10  }
0x3e: {  	v1 =	vand.u32 $0xFFFF0000, v1;
	[tilespmem:s1+$0xFFFFFFE0] =	vst v2  }
0x3f: {  	s0 =	sshll.u32 s0, $0xD;
	[tilespmem:s1+$0xFFFFFFF0] =	vst v1  }
0x40: {  	s0 =	sor.u32 $0xC000, s0;
	s23 =	simm.s32 $0x80;
	s22 =	smov.u32 s1;
	v1 =	vld.idx.msk [tilespmem:v0+s25+$0x10 ss:$0x1], $0xffff  }
.LBB2_3:
0x41: {  	_ =	sdelay $0x2  }
0x42: {  	p2 =	sne.s32 s23, $0x3F80  }
0x43: {  	s1 =	sadd.s32 $0x40, s1;
	s25 =	smov.u32 s23;
	s23 =	sadd.s32 $0x80, s23;
	v2 =	vshll.u32 v1, $0x10;
	v1 =	vand.u32 $0xFFFF0000, v1  }
0x44: {  	[tilespmem:s22+$0x0] =	vst v2  }
0x45: {  	s25 =	sshra.s32 s25, $0x2;
	[tilespmem:s22+$0x10] =	vst v1;
	s22 =	smov.u32 s1  }
0x46: {  	v1 =	vld.idx.msk [tilespmem:v0+s25+$0x0 ss:$0x1], $0xffff;
	_ =	sdelay $0x4  }
.Ltmp0:
0x47: {  	(pc) =	sbr.rel @p2 .LBB2_3-.Ltmp0, $4  }
0x48: {  	v2 =	vshll.u32 v1, $0x10;
	v1 =	vand.u32 $0xFFFF0000, v1  }
0x49: {  	[tilespmem:s1+$0xFFFFFFE0] =	vst v2  }
0x4a: {  	[tilespmem:s1+$0xFFFFFFF0] =	vst v1  }
0x4b: {  	v1 =	vld.idx.msk [tilespmem:v0+s25+$0x10 ss:$0x1], $0xffff  }
0x4c: {  	_ = 	snop  }
0x4d: {  	p2 =	slt.u32 s31, s12  }
0x4e: {  	p3 =	sge.u32 @!p2 s31, s15  }
0x4f: {  	p4 =	por p3, p2  }
0x50: {  	s1 =	sshll.u32 s31, $0x7;
	p5 =	sle.u32 @!p4 s31, s12;
	v0 =	vshll.u32 v1, $0x10  }
0x51: {  	s1 =	sand.u32 $0x3FFFFF80, s1;
	v63 =	vand.u32 $0xFFFF0000, v1;
	p3 =	por @!p2 p5, p3;
	[tilespmem:s22+$0x0] =	vst v0  }
0x52: {  	s1 =	sadd.s32 $0x5000, s1;
	[tilespmem:s22+$0x10] =	vst v63;
	p2 =	por p3, p2  }
0x53: {  	[spmem:s3] =	stream.indirect.scatter.add.f32 [tilespmem:s0], [sflag:$0x2], $0x40, s1, s24, $0xb8;
	[tilespmem:$0x1B5C0] =	vst v63  }
0x54: {  	s0 =	simm.s32 @!p2 $0x3  }
0x55: {  	_ =	swait.ge @!p2 [sflag:s0], $0x400  }
0x56: {  	[sflag:s0] =	ssyncset.done @!p2 $0x0  }
0x57: {  	[sflag:s0] =	ssyncadd.s32 @!p2 $0xFFFFFC00;
	p2 =	sne.s32 s2, $0xA0  }
.Ltmp1:
0x58: {  	_ = 	snop;
	(pc) =	sbr.rel @p2 .LBB2_2-.Ltmp1, $4  }
0x59: {  	_ = 	snop  }
0x5a: {  	p1 =	por !p1, !p1  }
0x5b: {  	s31 =	smov.u32 s2;
	s22 =	simm.s32 @!p4 $0x10000;
	s0 =	simm.s32 @!p4 $0x80  }
0x5c: {  	[spmem:s4] =	stream.indirect.scatter.add.f32 @!p4 [tilespmem:s22], [sflag:$0x3], $0x8, s1, s0, $0xb8;
	[tilespmem:$0x1B5C0] =	vst v63  }
0x5d: {  	_ =	swait.ge [sflag:s28], $0x2000  }
0x5e: {  	[sflag:s28] =	ssyncset.done $0x0  }
0x5f: {  	[sflag:s28] =	ssyncadd.s32 $0xFFFFE000  }
0x60: {  	_ =	swait.ge [sflag:s28], $0x2000  }
0x61: {  	[sflag:s28] =	ssyncset.done $0x0  }
0x62: {  	[sflag:s28] =	ssyncadd.s32 $0xFFFFE000  }
0x63: {  	_ =	swait.ge [sflag:s29], $0x400  }
0x64: {  	[sflag:s29] =	ssyncset.done $0x0  }
0x65: {  	[sflag:s29] =	ssyncadd.s32 $0xFFFFFC00  }
0x66: {  	s0 =	sshrl.u32 @p0 s9, $0x3;
	[bflag:$0x0] =	sbarrier.arrive $0xFFFF  }
0x67: {  	[hbm:s18], [sflag:s10] =	dma.local @p0 [spmem:s0], $0x1040  }
0x68: {  	s0 =	simm.s32 @p0 $0x4  }
0x69: {  	_ =	swait.ge @p0 [sflag:s0], $0x1040  }
0x6a: {  	[sflag:s0] =	ssyncset.done @p0 $0x0  }
0x6b: {  	s1 =	sshrl.u32 @p0 s11, $0x3;
	[sflag:s0] =	ssyncadd.s32 @p0 $0xFFFFEFC0  }
0x6c: {  	[hbm:s19], [sflag:s10] =	dma.local @p0 [spmem:s1], $0x208  }
0x6d: {  	_ =	swait.ge @p0 [sflag:s0], $0x208  }
0x6e: {  	[sflag:s0] =	ssyncset.done @p0 $0x0  }
0x6f: {  	[sflag:s0] =	ssyncadd.s32 @p0 $0xFFFFFDF8;
	s0 =	sshrl.u32 @!p0 s9, $0x3  }
0x70: {  	[hbm:s16], [sflag:s10] =	dma.local @!p0 [spmem:s0], $0x13C0  }
0x71: {  	s0 =	simm.s32 @!p0 $0x4  }
0x72: {  	s30 =	sadd.s32 $0x1, s30;
	_ =	swait.ge @!p0 [sflag:s0], $0x13C0  }
0x73: {  	p1 =	sne.s32 s30, s20;
	[sflag:s0] =	ssyncset.done @!p0 $0x0  }
.Ltmp2:
0x74: {  	s1 =	sshrl.u32 @!p0 s11, $0x3;
	[sflag:s0] =	ssyncadd.s32 @!p0 $0xFFFFEC40;
	(pc) =	sbr.rel @p1 .LBB2_1-.Ltmp2, $4  }
0x75: {  	[hbm:s17], [sflag:s10] =	dma.local @!p0 [spmem:s1], $0x278  }
0x76: {  	_ =	swait.ge @!p0 [sflag:s0], $0x278  }
0x77: {  	[sflag:s0] =	ssyncset.done @!p0 $0x0  }
0x78: {  	[sflag:s0] =	ssyncadd.s32 @!p0 $0xFFFFFD88  }
0x79: {  	_ =	sfence.sel $0x180000  }
0x7a: {  	[bflag:$0x0] =	sbarrier.arrive $0xFFFF  }
0x7b: {  	_ =	strace $0x90000047  }
0x7c: {  	s0 =	stileid.u32;
	[bflag:$0x2] =	sbarrier.arrive $0xFFFF  }
0x7d: {  	p0 =	sne.s32 s0, $0x0;
	s0 =	rddreg [dreg:$0x4]  }
0x7e: {  	s0 =	sadd.s32 @!p0 $0x100000, s0  }
0x7f: {  	[sflag:s0] =	ssyncadd.tile.s32 @!p0 $0x1;
	_ =	shalt  }
.Lfunc_end2:
_tile_overlayer_lowered:
.L_overlay_start_2:
0x80: {  	(tag) =	ssettag $0x2  }
0x81: {  	s0 =	rddreg [dreg:$0x0];
	s2 =	stileid.u32  }
0x82: {  	s1 =	rddreg [dreg:$0x1];
	p0 =	sne.s32 s2, $0x0  }
0x83: {  	s3 =	rddreg [dreg:$0x2];
	[bflag:$0x3] =	sbarrier.arrive $0xFFFF;
	s2 =	simm.s32 @!p0 $0x1C04  }
0x84: {  	[timem:s3], [sflag:s2] =	dma.local @!p0 [hbm:s0], s1  }
0x85: {  	s0 =	simm.s32 @!p0 $0x4  }
0x86: {  	_ =	swait.ge @!p0 [sflag:s0], s1  }
0x87: {  	s1 =	ssub.s32 @!p0 $0x0, s1;
	[sflag:s0] =	ssyncset.done @!p0 $0x0  }
0x88: {  	[sflag:s0] =	ssyncadd.s32 @!p0 s1  }
0x89: {  	[bflag:$0x3] =	sbarrier.arrive $0xFFFF  }
0x8a: {  	_ =	shalt  }

// kernel: kernel.9.cloned.1.call-start
scs
__scs_entry_jumppad:
0x0: {  	(pc) =	sbr.rel $0x88, $3  }
0x1: {  	(tag) =	ssettag $0x0;
	lr =	simm.s32 $0x1  }
0x2: {  	[smem:$0x3F97] =	sst lr;
	_ =	strace $0xD0000000  }
0x3: {  	_ = 	snop  }
0x4: {  	_ = 	snop  }
0x5: {  	_ = 	snop  }
0x6: {  	_ = 	snop  }
0x7: {  	_ = 	snop  }
__scs_overlays_trampoline_lowered:
0x8: {  	[smem:$0x3FA6] =	sst s0  }
0x9: {  	[smem:$0x3FA7] =	sst s1  }
0xa: {  	[smem:$0x3FA8] =	sst s2  }
0xb: {  	[smem:$0x3FA9] =	sst s3  }
0xc: {  	[smem:$0x3FAA] =	sst s4  }
0xd: {  	[smem:$0x3FAB] =	sst s5  }
0xe: {  	[smem:$0x3FAC] =	sst s6  }
0xf: {  	[smem:$0x3FAD] =	sst s7  }
0x10: {  	[smem:$0x3FAE] =	sst s8  }
0x11: {  	[smem:$0x3FAF] =	sst s9;
	s0 =	simm.s32 @!p0 $0x0  }
0x12: {  	s1 =	sld [smem:$0x3F95];
	s0 =	simm.s32 @p0 $0x1  }
0x13: {  	[smem:$0x3FB0] =	sst s0;
	s0 =	simm.s32 @!p1 $0x0  }
0x14: {  	s2 =	sld [smem:$0x3F94];
	s0 =	simm.s32 @p1 $0x1  }
0x15: {  	[smem:$0x3FB1] =	sst s0;
	s0 =	simm.s32 @!p2 $0x0  }
0x16: {  	s3 =	sld [smem:$0x3FDB];
	s0 =	simm.s32 @p2 $0x1  }
0x17: {  	s4 =	simm.s32 $0x1BF5;
	[smem:$0x3FB3] =	sst s0  }
0x18: {  	s0 =	sld [smem:$0x3F96];
	_ =	swait.ge [sflag:s4], $0x0  }
0x19: {  	s7 =	sld [smem:$0x3F97]  }
0x1a: {  	s8 =	sadd.s32 $0xFFFFE003, lr  }
0x1b: {  	s9 =	sadd.s32 $0xFFFFFEF7, lr;
	s5 =	simm.s32 $0xFFFFFFFF;
	p2 =	slt.u32 s8, $0xFFFFF086  }
0x1c: {  	p1 =	slt.u32 s9, $0xF7A;
	s5 =	simm.s32 @!p2 $0x0  }
0x1d: {  	s5 =	simm.s32 @p1 $0x1;
	p0 =	seq.s32 s7, s2  }
0x1e: {  	s7 =	smul.u32 @!p0 $0xF7A, s2;
	p2 =	seq.s32 @!p0 s5, $0x0  }
0x1f: {  	s9 =	smul.u32 $0xF7A, s1;
	s8 =	simm.s32 @!p0 $0x1BF5;
	p2 =	por !p2, p0  }
0x20: {  	[sflag:s8] =	ssyncset.s32 @!p0 $0xFFFFF086;
	s6 =	sadd.s32 @!p0 s3, s7;
	s7 =	simm.s32 @!p0 $0x108  }
0x21: {  	s3 =	sadd.s32 s3, s9;
	s6 =	sadd.s32 @!p0 $0x88, s6;
	s7 =	simm.s32 @p2 $0x1082  }
0x22: {  	[simem:s7], [sflag:s8] =	dma.local @!p0 [hbm:s6], $0xF7A  }
0x23: {  	s9 =	sor.u32 $0xD0000000, s2;
	s6 =	simm.s32 $0x108;
	_ =	swait.ge @!p0 [sflag:s8], $0x0  }
0x24: {  	s3 =	sadd.s32 $0x88, s3;
	s6 =	simm.s32 @!p1 $0x1082;
	[sflag:s4] =	ssyncset.s32 $0xFFFFF086  }
0x25: {  	[simem:s6], [sflag:s4] =	dma.local [hbm:s3], $0xF7A  }
0x26: {  	[smem:$0x3F97] =	sst s1;
	(tag) =	ssettag s2;
	_ =	strace s9  }
0x27: {  	s1 =	sld [smem:$0x3FA7]  }
0x28: {  	s2 =	sld [smem:$0x3FA8]  }
0x29: {  	s4 =	sld [smem:$0x3FAA]  }
0x2a: {  	p0 =	seq.s32 s5, $0x0;
	s5 =	sld [smem:$0x3FAB]  }
0x2b: {  	s6 =	sld [smem:$0x3FAC]  }
0x2c: {  	s7 =	sld [smem:$0x3FAD]  }
0x2d: {  	s3 =	simm.s32 $0x108;
	s8 =	sld [smem:$0x3FAE]  }
0x2e: {  	s3 =	simm.s32 @!p0 $0x1082;
	s9 =	sld [smem:$0x3FAF]  }
0x2f: {  	lr =	sadd.s32 s0, s3;
	s0 =	sld [smem:$0x3FA6]  }
0x30: {  	s3 =	sld [smem:$0x3FA9]  }
0x31: {  	[smem:$0x3FB2] =	sst s10  }
0x32: {  	s10 =	sld [smem:$0x3FB0];
	_ =	sdelay $0x3  }
0x33: {  	p0 =	seq.s32 s10, $0x1;
	s10 =	sld [smem:$0x3FB2];
	_ =	sdelay $0x3  }
0x34: {  	[smem:$0x3FB2] =	sst s10  }
0x35: {  	s10 =	sld [smem:$0x3FB1];
	_ =	sdelay $0x3  }
0x36: {  	p1 =	seq.s32 s10, $0x1;
	s10 =	sld [smem:$0x3FB2];
	_ =	sdelay $0x3  }
0x37: {  	[smem:$0x3FB2] =	sst s10  }
0x38: {  	s10 =	sld [smem:$0x3FB3]  }
0x39: {  	_ = 	snop;
	(pc) =	sbr.ind lr, $3  }
0x3a: {  	_ = 	snop  }
0x3b: {  	_ = 	snop  }
0x3c: {  	p2 =	seq.s32 s10, $0x1;
	s10 =	sld [smem:$0x3FB2]  }
0x3d: {  	_ =	shalt  }
0x3e: {  	_ =	shalt  }
0x3f: {  	_ =	shalt  }
0x40: {  	_ =	shalt  }
0x41: {  	_ =	shalt  }
0x42: {  	_ =	shalt  }
0x43: {  	_ =	shalt  }
0x44: {  	_ =	shalt  }
0x45: {  	_ =	shalt  }
0x46: {  	_ =	shalt  }
0x47: {  	_ =	shalt  }
0x48: {  	_ =	shalt  }
0x49: {  	_ =	shalt  }
0x4a: {  	_ =	shalt  }
0x4b: {  	_ =	shalt  }
0x4c: {  	_ =	shalt  }
0x4d: {  	_ =	shalt  }
0x4e: {  	_ =	shalt  }
0x4f: {  	_ =	shalt  }
0x50: {  	_ =	shalt  }
0x51: {  	_ =	shalt  }
0x52: {  	_ =	shalt  }
0x53: {  	_ =	shalt  }
0x54: {  	_ =	shalt  }
0x55: {  	_ =	shalt  }
0x56: {  	_ =	shalt  }
0x57: {  	_ =	shalt  }
0x58: {  	_ =	shalt  }
0x59: {  	_ =	shalt  }
0x5a: {  	_ =	shalt  }
0x5b: {  	_ =	shalt  }
0x5c: {  	_ =	shalt  }
0x5d: {  	_ =	shalt  }
0x5e: {  	_ =	shalt  }
0x5f: {  	_ =	shalt  }
0x60: {  	_ =	shalt  }
0x61: {  	_ =	shalt  }
0x62: {  	_ =	shalt  }
0x63: {  	_ =	shalt  }
0x64: {  	_ =	shalt  }
0x65: {  	_ =	shalt  }
0x66: {  	_ =	shalt  }
0x67: {  	_ =	shalt  }
0x68: {  	_ =	shalt  }
0x69: {  	_ =	shalt  }
0x6a: {  	_ =	shalt  }
0x6b: {  	_ =	shalt  }
0x6c: {  	_ =	shalt  }
0x6d: {  	_ =	shalt  }
0x6e: {  	_ =	shalt  }
0x6f: {  	_ =	shalt  }
0x70: {  	_ =	shalt  }
0x71: {  	_ =	shalt  }
0x72: {  	_ =	shalt  }
0x73: {  	_ =	shalt  }
0x74: {  	_ =	shalt  }
0x75: {  	_ =	shalt  }
0x76: {  	_ =	shalt  }
0x77: {  	_ =	shalt  }
0x78: {  	_ =	shalt  }
0x79: {  	_ =	shalt  }
0x7a: {  	_ =	shalt  }
0x7b: {  	_ =	shalt  }
0x7c: {  	_ =	shalt  }
0x7d: {  	_ =	shalt  }
0x7e: {  	_ =	shalt  }
0x7f: {  	_ =	shalt  }
0x80: {  	_ =	shalt  }
0x81: {  	_ =	shalt  }
0x82: {  	_ =	shalt  }
0x83: {  	_ =	shalt  }
0x84: {  	_ =	shalt  }
0x85: {  	_ =	shalt  }
0x86: {  	_ =	shalt  }
0x87: {  	_ =	shalt  }
.Lfunc_end0:
.L_simem_size_0:
called_computation.1_lowered:
.L_overlay_start_0:
0x88: {  	s2 =	sld [smem:$0x3FD9]  }
0x89: {  	s3 =	sld [smem:$0x3FFE];
	_ =	sdelay $0x1  }
0x8a: {  	s1 =	srdreg.scid  }
0x8b: {  	s0 =	sand.u32 $0x1, s1  }
0x8c: {  	s16 =	sshll.u32 s0, $0xA;
	s2 =	sadd.s32 s3, s2  }
0x8d: {  	s2 =	sadd.s32 s2, s16  }
0x8e: {  	[smem:$0x3FBE] =	sst s2  }
0x8f: {  	_ = 	snop  }
0x90: {  	(tm) =	ssettm $0x1  }
0x91: {  	s17 =	sld [smem:$0x3FFB];
	_ =	sdelay $0x3  }
0x92: {  	_ =	strace s17  }
0x93: {  	s2 =	sld [smem:$0x3FFC];
	_ =	sdelay $0x3  }
0x94: {  	_ =	strace s2  }
0x95: {  	s2 =	sld [smem:$0x3FFD];
	_ =	sdelay $0x3  }
0x96: {  	_ =	strace s2  }
0x97: {  	_ =	strace $0x8FFFFFFF  }
0x98: {  	s18 =	sld [smem:$0x3FDB];
	_ =	sdelay $0x1  }
0x99: {  	s19 =	simm.s32 $_scs_section_size  }
0x9a: {  	s4 =	simm.s32 $_size__tile_overlayer_lowered;
	s5 =	simm.s32 $_tile_overlayer_lowered  }
0x9b: {  	s22 =	simm.s32 $0x1BFF;
	s21 =	sshll.u32 s5, $0x1;
	s2 =	sadd.s32 s19, s18  }
0x9c: {  	s6 =	simm.s32 $0x0;
	s20 =	sshll.u32 s4, $0x1;
	s4 =	sadd.s32 s21, s2  }
0x9d: {  	[timem:s6], [sflag:s22] =	dma.local [hbm:s4], s20  }
0x9e: {  	_ =	swait.ge [sflag:s22], s20  }
0x9f: {  	s3 =	ssub.s32 $0x0, s20;
	[sflag:s22] =	ssyncset.done $0x0  }
0xa0: {  	[sflag:s22] =	ssyncadd.s32 s3;
	_ =	sdelay $0x1  }
0xa1: {  	s23 =	simm.s32 $0x1B8B  }
0xa2: {  	_ =	swait.ge [sflag:s23], $0x1  }
0xa3: {  	[sflag:s23] =	ssyncset.done $0x0  }
0xa4: {  	s25 =	simm.s32 $0x1B8E;
	s24 =	sld [smem:$0x3FFE];
	[sflag:s23] =	ssyncadd.s32 $0xFFFFFFFF  }
0xa5: {  	s26 =	simm.s32 $execute0_lowered;
	[smem:$0x3FD2] =	sst s25  }
0xa6: {  	s4 =	sshll.u32 s26, $0x1;
	_ =	strace $0x80000049;
	[dreg:$0x1] =	wrdreg $0xFFFFFFFF  }
0xa7: {  	s28 =	simm.s32 $_size_execute0_lowered;
	s2 =	sadd.s32 s2, s4;
	[dreg:$0x0] =	wrdreg $0x0  }
0xa8: {  	s4 =	sshll.u32 s28, $0x1;
	[dreg:$0x2] =	wrdreg s2  }
0xa9: {  	[dreg:$0x3] =	wrdreg s4  }
0xaa: {  	[dreg:$0x4] =	wrdreg $0xC0  }
0xab: {  	_ =	task [dreg:s6], $0x5FFFF  }
0xac: {  	[dreg:$0x1] =	wrdreg $0xFFFFFFFF  }
0xad: {  	[dreg:$0x0] =	wrdreg $0x60  }
0xae: {  	[dreg:$0x2] =	wrdreg s24  }
0xaf: {  	[dreg:$0x3] =	wrdreg $0x70000  }
0xb0: {  	[dreg:$0x4] =	wrdreg $0x9  }
0xb1: {  	_ =	task.clear_ibuf [dreg:s6], $0x5FFFF;
	_ =	strace $0x90000049  }
0xb2: {  	s29 =	simm.s32 $0x9;
	_ =	strace $0x8000004B  }
0xb3: {  	_ =	swait.ge [sflag:s29], $0x1  }
0xb4: {  	[sflag:s29] =	ssyncadd.s32 $0xFFFFFFFF  }
0xb5: {  	_ =	strace $0x9000004B  }
0xb6: {  	_ =	sfence  }
0xb7: {  	s30 =	sld [smem:$0x0];
	_ =	sdelay $0x2  }
0xb8: {  	s31 =	sshll.u32 s1, $0xD;
	s1 =	sshrl.u32 s1, $0x2  }
0xb9: {  	s3 =	sand.u32 $0x4000, s31;
	s1 =	sadd.s32 s1, s30  }
0xba: {  	s0 =	sor.u32 s3, s0;
	s1 =	sshll.u32 s1, $0x11  }
0xbb: {  	s0 =	sor.u32 s1, s0  }
0xbc: {  	s0 =	sadd.s32 $0x8F2B, s0  }
0xbd: {  	[sflag:s0] =	ssyncadd.remote.s32 $0x1  }
0xbe: {  	_ =	sfence.sel $0xFFFF  }
0xbf: {  	[dreg:$0x0] =	wrdreg $0xFFFFFFFF;
	(pc) =	sbr.abs _section_cstart, $3  }
0xc0: {  	[dreg:$0x1] =	wrdreg $0xFFFFFFFF  }
0xc1: {  	_ =	task.clear_ibuf [dreg:s6], $0x2FFFF;
	_ =	strace $0x9FFFFFFF  }
0xc2: {  	(tm) =	ssettm $0x7FFFFFFF  }
0xc3: {  	_ =	shalt  }
tec
execute0_lowered:
.L_overlay_start_1:
0x0: {  	(tag) =	ssettag $0x1  }
0x1: {  	s1 =	srdreg.scid  }
0x2: {  	s0 =	stileid.u32;
	s6 =	rddreg [dreg:$0x0]  }
0x3: {  	s2 =	rddreg [dreg:$0x1];
	s3 =	simm.s32 $0x0;
	s15 =	simm.s32 $0x2800  }
0x4: {  	s16 =	simm.s32 $0x80;
	s17 =	simm.s32 $0x5000;
	s18 =	simm.s32 $0x5800  }
0x5: {  	s19 =	simm.s32 $0x1;
	s20 =	simm.s32 $0x2;
	s21 =	simm.s32 $0x0  }
0x6: {  	s7 =	sand.u32 $0x1, s1;
	s4 =	smul.u32 $0x5000, s0;
	s1 =	rddreg [dreg:$0x2]  }
0x7: {  	[smem:$0x7FF] =	sst s3;
	s10 =	smul.u32 $0x2780, s0;
	s13 =	sadd.s32 $0x1AC00, s6  }
0x8: {  	s30 =	sshll.u32 s0, $0x6;
	p0 =	seq.s32 s0, $0xF;
	s5 =	smul.u32 $0x2800, s7  }
0x9: {  	_ =	strace $0x8000004A;
	s8 =	ssub.s32 $0x2, s7;
	s12 =	smul.u32 $0x27100, s7  }
0xa: {  	s7 =	sor.u32 $0x1C03, s30;
	s11 =	sshrl.u32 s8, $0x1;
	s5 =	sadd.s32 s5, s4  }
0xb: {  	s4 =	sadd.s32 $0x15600, s6;
	s14 =	ssub.s32 s8, s11;
	s31 =	sshrl.u32 s12, $0x3  }
.Ltmp0:
0xc: {  	s5 =	sshrl.u32 s5, $0x3;
	s11 =	sadd.s32 s13, s31;
	(pc) =	sbr.rel .LBB2_1-.Ltmp0, $4  }
0xd: {  	s9 =	sadd.s32 s5, s6;
	s5 =	sadd.s32 $0x1A600, s6;
	s6 =	sadd.s32 s10, s2  }
0xe: {  	s10 =	sadd.s32 s10, s12;
	s11 =	sadd.s32 $0x4A10, s11;
	s12 =	smax.u32 s14, $0x1  }
0xf: {  	s14 =	simm.s32 $0x3;
	s8 =	sadd.s32 $0x1600, s9;
	s10 =	sshrl.u32 s10, $0x3  }
0x10: {  	s9 =	sadd.s32 $0x29000, s9;
	s10 =	sadd.s32 s13, s10;
	s13 =	sshrl.u32 s6, $0x3  }
.LBB2_7:
0x11: {  	_ =	swait.ge [sflag:s20], $0x800  }
0x12: {  	[sflag:s20] =	ssyncset.done $0x0  }
0x13: {  	[sflag:s20] =	ssyncadd.s32 $0xFFFFF800  }
0x14: {  	_ =	swait.ge [sflag:s20], $0x800  }
0x15: {  	[sflag:s20] =	ssyncset.done $0x0  }
0x16: {  	[sflag:s20] =	ssyncadd.s32 $0xFFFFF800  }
0x17: {  	_ =	swait.ge [sflag:s20], $0x800  }
0x18: {  	[sflag:s20] =	ssyncset.done $0x0  }
0x19: {  	[sflag:s20] =	ssyncadd.s32 $0xFFFFF800  }
0x1a: {  	_ =	swait.ge [sflag:s20], $0x800  }
0x1b: {  	[sflag:s20] =	ssyncset.done $0x0  }
0x1c: {  	[sflag:s20] =	ssyncadd.s32 $0xFFFFF800  }
0x1d: {  	s22 =	sshrl.u32 @p0 s6, $0x3;
	[bflag:$0x0] =	sbarrier.arrive $0xFFFF  }
0x1e: {  	[hbm:s11], [sflag:s7] =	dma.local @p0 [spmem:s22], $0x410  }
0x1f: {  	s22 =	simm.s32 @p0 $0x3  }
0x20: {  	_ =	swait.ge @p0 [sflag:s22], $0x410  }
0x21: {  	s21 =	sadd.s32 $0x1, s21;
	[sflag:s22] =	ssyncset.done @p0 $0x0  }
0x22: {  	p1 =	sne.s32 s21, s12;
	[sflag:s22] =	ssyncadd.s32 @p0 $0xFFFFFBF0;
	s22 =	sshrl.u32 @!p0 s6, $0x3  }
0x23: {  	[hbm:s10], [sflag:s7] =	dma.local @!p0 [spmem:s22], $0x4F0  }
.Ltmp1:
0x24: {  	_ = 	snop;
	(pc) =	sbr.rel @!p1 .LBB2_8-.Ltmp1, $4  }
0x25: {  	s22 =	simm.s32 @!p0 $0x3  }
0x26: {  	_ =	swait.ge @!p0 [sflag:s22], $0x4F0  }
0x27: {  	[sflag:s22] =	ssyncset.done @!p0 $0x0  }
0x28: {  	[sflag:s22] =	ssyncadd.s32 @!p0 $0xFFFFFB10  }
.LBB2_1:
0x29: {  	[spmem:s13], [sflag:s7] =	dma.local [hbm:s5], $0x4F0  }
0x2a: {  	_ =	swait.ge [sflag:s14], $0x4F0  }
0x2b: {  	[sflag:s14] =	ssyncset.done $0x0  }
0x2c: {  	[sflag:s14] =	ssyncadd.s32 $0xFFFFFB10  }
0x2d: {  	[tilespmem:s3], [sflag:$0x3] =	stream.linear.gather [hbm4b:s8+s3], $0x2800, $0x38;
	[tilespmem:$0x9780] =	vst v63  }
0x2e: {  	_ =	swait.ge [sflag:s14], $0x2800  }
0x2f: {  	[sflag:s14] =	ssyncset.done $0x0  }
0x30: {  	[sflag:s14] =	ssyncadd.s32 $0xFFFFD800  }
0x31: {  	[tilespmem:s15], [sflag:$0x3] =	stream.linear.gather [hbm4b:s9+s3], $0x2800, $0x38;
	[tilespmem:$0x9780] =	vst v63  }
0x32: {  	_ =	swait.ge [sflag:s14], $0x2800  }
0x33: {  	[sflag:s14] =	ssyncset.done $0x0  }
0x34: {  	[sflag:s14] =	ssyncadd.s32 $0xFFFFD800  }
0x35: {  	[tilespmem:s17], [sflag:$0x1] =	stream.indirect.gather [hbm4b:s4+s16], $0x10, s3, s16, $0xb8;
	[tilespmem:$0x9780] =	vst v63  }
.Ltmp2:
0x36: {  	_ = 	snop;
	(pc) =	sbr.rel .LBB2_2-.Ltmp2, $4  }
0x37: {  	_ = 	snop  }
0x38: {  	[tilespmem:s18], [sflag:$0x1] =	stream.indirect.gather [hbm4b:s4+s16], $0x10, s16, s16, $0xb8;
	[tilespmem:$0x9780] =	vst v63  }
0x39: {  	[bflag:$0x0] =	sbarrier.arrive $0xFFFF  }
0x3a: {  	s22 =	simm.s32 $0x2880;
	s23 =	simm.s32 $0x180;
	s24 =	simm.s32 $0x0  }
.LBB2_5:
0x3b: {  	s26 =	sshll.u32 s25, $0xC  }
0x3c: {  	s29 =	sadd.s32 $0xFFFFFF80, s23;
	s28 =	ssub.s32 $0x6000, s26  }
0x3d: {  	[tilespmem:s28], [sflag:$0x1] =	stream.indirect.gather [hbm4b:s4+s16], $0x10, s29, s16, $0xb8;
	[tilespmem:$0x9780] =	vst v63  }
0x3e: {  	s26 =	ssub.s32 $0x6800, s26  }
0x3f: {  	[tilespmem:s26], [sflag:$0x1] =	stream.indirect.gather [hbm4b:s4+s16], $0x10, s23, s16, $0xb8;
	[tilespmem:$0x9780] =	vst v63  }
.LBB2_6:
0x40: {  	_ =	swait.ge [sflag:s19], $0x800  }
0x41: {  	[sflag:s19] =	ssyncset.done $0x0  }
0x42: {  	[sflag:s19] =	ssyncadd.s32 $0xFFFFF800  }
0x43: {  	s25 =	sshll.u32 s25, $0xC;
	s24 =	sadd.s32 $0x1, s24;
	_ =	swait.ge [sflag:s19], $0x800  }
0x44: {  	s28 =	sadd.s32 $0xFFFFFF80, s22;
	p1 =	sne.s32 s24, $0x28;
	[sflag:s19] =	ssyncset.done $0x0  }
.Ltmp3:
0x45: {  	s26 =	sadd.s32 $0x5000, s25;
	[sflag:s19] =	ssyncadd.s32 $0xFFFFF800;
	(pc) =	sbr.rel @!p1 .LBB2_7-.Ltmp3, $4  }
0x46: {  	[spmem:s2] =	stream.indirect.scatter.add.f32 [tilespmem:s26], [sflag:$0x2], $0x10, s28, s16, $0xb8;
	[tilespmem:$0x9780] =	vst v63  }
0x47: {  	s25 =	sadd.s32 $0x5800, s25  }
0x48: {  	[spmem:s2] =	stream.indirect.scatter.add.f32 [tilespmem:s25], [sflag:$0x2], $0x10, s22, s16, $0xb8;
	[tilespmem:$0x9780] =	vst v63  }
0x49: {  	s23 =	sadd.s32 $0x100, s23;
	s22 =	sadd.s32 $0x100, s22  }
.LBB2_2:
0x4a: {  	p1 =	seq.s32 s24, $0x0  }
.Ltmp4:
0x4b: {  	_ = 	snop;
	(pc) =	sbr.rel @p1 .LBB2_5-.Ltmp4, $2  }
0x4c: {  	_ =	sdelay $0x2  }
0x4d: {  	s25 =	sand.u32 $0x1, s24  }
0x4e: {  	p1 =	seq.s32 s24, $0x27  }
.Ltmp5:
0x4f: {  	_ = 	snop;
	(pc) =	sbr.rel @p1 .LBB2_6-.Ltmp5, $1  }
0x50: {  	_ =	sdelay $0x3  }
0x51: {  	_ =	swait.ge [sflag:s20], $0x800  }
.Ltmp6:
0x52: {  	[sflag:s20] =	ssyncset.done $0x0;
	(pc) =	sbr.rel .LBB2_5-.Ltmp6, $4  }
0x53: {  	[sflag:s20] =	ssyncadd.s32 $0xFFFFF800  }
0x54: {  	_ =	swait.ge [sflag:s20], $0x800  }
0x55: {  	[sflag:s20] =	ssyncset.done $0x0  }
0x56: {  	[sflag:s20] =	ssyncadd.s32 $0xFFFFF800  }
.LBB2_8:
0x57: {  	_ =	sfence.sel $0x180000  }
0x58: {  	[bflag:$0x0] =	sbarrier.arrive $0xFFFF  }
0x59: {  	p0 =	sne.s32 s0, $0x0;
	_ =	strace $0x9000004A  }
0x5a: {  	s0 =	sadd.s32 @!p0 $0x100000, s1;
	[bflag:$0x2] =	sbarrier.arrive $0xFFFF  }
0x5b: {  	[sflag:s0] =	ssyncadd.tile.s32 @!p0 $0x1;
	_ =	shalt  }
.Lfunc_end2:
_tile_overlayer_lowered:
.L_overlay_start_2:
0x5c: {  	(tag) =	ssettag $0x2  }
0x5d: {  	s0 =	rddreg [dreg:$0x0];
	s2 =	stileid.u32  }
0x5e: {  	s1 =	rddreg [dreg:$0x1];
	p0 =	sne.s32 s2, $0x0  }
0x5f: {  	s3 =	rddreg [dreg:$0x2];
	[bflag:$0x3] =	sbarrier.arrive $0xFFFF;
	s2 =	simm.s32 @!p0 $0x1C03  }
0x60: {  	[timem:s3], [sflag:s2] =	dma.local @!p0 [hbm:s0], s1  }
0x61: {  	s0 =	simm.s32 @!p0 $0x3  }
0x62: {  	_ =	swait.ge @!p0 [sflag:s0], s1  }
0x63: {  	s1 =	ssub.s32 @!p0 $0x0, s1;
	[sflag:s0] =	ssyncset.done @!p0 $0x0  }
0x64: {  	[sflag:s0] =	ssyncadd.s32 @!p0 s1  }
0x65: {  	[bflag:$0x3] =	sbarrier.arrive $0xFFFF  }
0x66: {  	_ =	shalt  }

</sc_bundles>
